<compile_context>
chip_gen: v7x
topology: tpu7x:2x2x1
jax: 0.10.2.dev20260603
libtpu: 0.0.44.dev20260713+nightly
codegen_flags: <defaults>
</compile_context>

<pallas_src>
import functools

import jax
import jax.numpy as jnp
from jax import lax
from jax.experimental import pallas as pl
from jax.experimental.pallas import tpu as pltpu
from jax.experimental.pallas import tpu_sc as plsc

T = 2048
D = 768
E = 8
F = 2048
CAP = 256
NW = 32
TPW = T // NW
HW = TPW // 2
RB = 256
GL = 128


def _router_body(tok_ref, wg_ref, bg_ref, dst_ref, g_ref):
    logits = lax.dot_general(
        tok_ref[0], wg_ref[...], (((1,), (0,)), ((), ())),
        precision=lax.Precision.DEFAULT,
        preferred_element_type=jnp.float32) + bg_ref[...]
    lmax = jnp.max(logits, axis=1, keepdims=True)
    gate = 1.0 / jnp.sum(jnp.exp(logits - lmax), axis=1, keepdims=True)
    iota_e = lax.broadcasted_iota(jnp.int32, (T, E), 1)
    idx = jnp.min(jnp.where(logits == lmax, iota_e, E), axis=1, keepdims=True)
    mask = (iota_e == idx).astype(jnp.float32)

    iota_r = lax.broadcasted_iota(jnp.int32, (RB, RB), 0)
    iota_c = lax.broadcasted_iota(jnp.int32, (RB, RB), 1)
    tri = (iota_c < iota_r).astype(jnp.float32)

    nblk = T // RB
    blocks = [lax.slice(mask, (k * RB, 0), ((k + 1) * RB, E)) for k in range(nblk)]
    intra = [jnp.dot(tri, b, preferred_element_type=jnp.float32) for b in blocks]
    csum = [jnp.sum(b, axis=0, keepdims=True) for b in blocks]
    off = jnp.zeros((1, E), jnp.float32)
    pos_blocks = []
    for k in range(nblk):
        pos_blocks.append(intra[k] + off)
        off = off + csum[k]
    pos = jnp.concatenate(pos_blocks, axis=0)

    pos_i = jnp.sum(pos * mask, axis=1, keepdims=True).astype(jnp.int32)
    kept = pos_i < CAP
    row = lax.broadcasted_iota(jnp.int32, (T, 1), 0)
    dst = jnp.where(kept, idx * CAP + pos_i, T + (row & (CAP - 1)))
    dst_ref[...] = dst.reshape(T)
    g_ref[...] = jnp.broadcast_to(gate, (T, GL))


def _router(inputs, Wg, bg):
    return pl.pallas_call(
        _router_body,
        out_shape=(
            jax.ShapeDtypeStruct((T,), jnp.int32),
            jax.ShapeDtypeStruct((T, GL), jnp.float32),
        ),
    )(inputs, Wg, bg.reshape(1, E))


def _dispatch(inputs, dst, g16):
    mesh = plsc.VectorSubcoreMesh(core_axis_name="c", subcore_axis_name="s")

    @functools.partial(
        pl.kernel, mesh=mesh,
        out_type=(
            jax.ShapeDtypeStruct((T + CAP, D), jnp.float32),
            jax.ShapeDtypeStruct((T + CAP, GL), jnp.float32),
        ),
        scratch_types=[
            pltpu.VMEM((2, HW), jnp.int32),
            pltpu.VMEM((TPW, D), jnp.float32),
            pltpu.VMEM((TPW, GL), jnp.float32),
            pltpu.SemaphoreType.DMA,
            pltpu.SemaphoreType.DMA,
            pltpu.SemaphoreType.DMA,
            pltpu.SemaphoreType.DMA,
        ],
    )
    def k(tok_hbm, dst_hbm, g_hbm, disp_hbm, gates_hbm,
          idx_v, rows_v, gb_v, s0, s1, s2, s3):
        wid = lax.axis_index("s") * 2 + lax.axis_index("c")
        base = wid * TPW
        ld0 = pltpu.async_copy(tok_hbm.at[0, pl.ds(base, HW)],
                               rows_v.at[pl.ds(0, HW)], s0)
        ld1 = pltpu.async_copy(tok_hbm.at[0, pl.ds(base + HW, HW)],
                               rows_v.at[pl.ds(HW, HW)], s1)
        pltpu.sync_copy(dst_hbm.at[pl.ds(base, HW)], idx_v.at[0])
        pltpu.sync_copy(dst_hbm.at[pl.ds(base + HW, HW)], idx_v.at[1])
        pltpu.sync_copy(g_hbm.at[pl.ds(base, TPW)], gb_v)
        ld0.wait()
        st0 = pltpu.async_copy(rows_v.at[pl.ds(0, HW)],
                               disp_hbm.at[idx_v.at[0]], s2)
        ld1.wait()
        st1 = pltpu.async_copy(rows_v.at[pl.ds(HW, HW)],
                               disp_hbm.at[idx_v.at[1]], s3)
        pltpu.sync_copy(gb_v.at[pl.ds(0, HW)], gates_hbm.at[idx_v.at[0]])
        pltpu.sync_copy(gb_v.at[pl.ds(HW, HW)], gates_hbm.at[idx_v.at[1]])
        st0.wait()
        st1.wait()

    return k(inputs, dst, g16)


def _ffn_body(d_ref, g_ref, w1_ref, b1_ref, w2_ref, b2_ref, o_ref):
    e = pl.program_id(0)

    @pl.when(e == E)
    def _zero():
        o_ref[...] = jnp.zeros((CAP, D), jnp.float32)

    @pl.when(e < E)
    def _compute():
        sel1 = (lax.broadcasted_iota(jnp.int32, (E, F), 0) == e).astype(
            jnp.float32)
        b1row = jnp.sum(b1_ref[...] * sel1, axis=0, keepdims=True)
        sel2 = (lax.broadcasted_iota(jnp.int32, (E, D), 0) == e).astype(
            jnp.float32)
        b2row = jnp.sum(b2_ref[...] * sel2, axis=0, keepdims=True)
        x = d_ref[...]
        h = jnp.dot(x, w1_ref[0], precision=lax.Precision.DEFAULT,
                    preferred_element_type=jnp.float32) + b1row
        h = jnp.maximum(h, 0.0)
        o_ref[...] = (jnp.dot(h, w2_ref[0], precision=lax.Precision.DEFAULT,
                              preferred_element_type=jnp.float32)
                      + b2row) * g_ref[..., 0:1]


def _ffn(disp, gates, W1, b1, W2, b2):
    e7 = lambda e: jnp.minimum(e, E - 1)
    return pl.pallas_call(
        _ffn_body,
        grid=(E + 1,),
        in_specs=[
            pl.BlockSpec((CAP, D), lambda e: (e7(e), 0)),
            pl.BlockSpec((CAP, GL), lambda e: (e7(e), 0)),
            pl.BlockSpec((1, D, F), lambda e: (e7(e), 0, 0)),
            pl.BlockSpec((E, F), lambda e: (0, 0)),
            pl.BlockSpec((1, F, D), lambda e: (e7(e), 0, 0)),
            pl.BlockSpec((E, D), lambda e: (0, 0)),
        ],
        out_specs=pl.BlockSpec((CAP, D), lambda e: (e, 0)),
        out_shape=jax.ShapeDtypeStruct((T + CAP, D), jnp.float32),
    )(disp, gates, W1, b1, W2, b2)


def _combine(eo, dst):
    mesh = plsc.VectorSubcoreMesh(core_axis_name="c", subcore_axis_name="s")

    @functools.partial(
        pl.kernel, mesh=mesh,
        out_type=jax.ShapeDtypeStruct((T, D), jnp.float32),
        scratch_types=[
            pltpu.VMEM((TPW,), jnp.int32),
            pltpu.VMEM((TPW, D), jnp.float32),
            pltpu.SemaphoreType.DMA,
            pltpu.SemaphoreType.DMA,
            pltpu.SemaphoreType.DMA,
            pltpu.SemaphoreType.DMA,
        ],
    )
    def k(eo_hbm, dst_hbm, out_hbm, idx_v, rows_v, s0, s1, s2, s3):
        wid = lax.axis_index("s") * 2 + lax.axis_index("c")
        base = wid * TPW
        pltpu.sync_copy(dst_hbm.at[pl.ds(base, TPW)], idx_v)
        g0 = pltpu.async_copy(eo_hbm.at[idx_v.at[pl.ds(0, HW)]],
                              rows_v.at[pl.ds(0, HW)], s0)
        g1 = pltpu.async_copy(eo_hbm.at[idx_v.at[pl.ds(HW, HW)]],
                              rows_v.at[pl.ds(HW, HW)], s1)
        g0.wait()
        w0 = pltpu.async_copy(rows_v.at[pl.ds(0, HW)],
                              out_hbm.at[pl.ds(base, HW)], s2)
        g1.wait()
        w1 = pltpu.async_copy(rows_v.at[pl.ds(HW, HW)],
                              out_hbm.at[pl.ds(base + HW, HW)], s3)
        w0.wait()
        w1.wait()

    return k(eo, dst)


def kernel(inputs, Wg, bg, W1, b1, W2, b2):
    dst, g16 = _router(inputs, Wg, bg)
    disp, gates = _dispatch(inputs, dst, g16)
    eo = _ffn(disp, gates, W1, b1, W2, b2)
    out = _combine(eo, dst)
    return out.reshape(inputs.shape)

# --- scband reference (transcript-rebuilt; emitter-appended) ---
"""Pipeline reference for scband-moe-layer-38508676776577 (READ-ONLY COPY).

The authoritative reference and input builder live on the scoring server;
editing this copy changes nothing except your own understanding.
"""

import jax, jax.numpy as jnp
import numpy as np

D = 768
E = 8
DFF = 2048
B = 1
S = 2048
CAP = (B * S) // E  # capacity factor 1.0, top-1 routing -> 256


def setup_inputs(seed: int = 0) -> dict:
    key = jax.random.key(seed)
    ks = jax.random.split(key, 4)
    inputs = jax.random.normal(ks[0], (B, S, D), dtype=jnp.float32)
    Wg = jax.random.normal(ks[1], (D, E), dtype=jnp.float32) * 0.02
    bg = jnp.zeros((E,), dtype=jnp.float32)
    W1 = jax.random.normal(ks[2], (E, D, DFF), dtype=jnp.float32) * 0.02
    b1 = jnp.zeros((E, DFF), dtype=jnp.float32)
    W2 = jax.random.normal(ks[3], (E, DFF, D), dtype=jnp.float32) * 0.02
    b2 = jnp.zeros((E, D), dtype=jnp.float32)
    return {"inputs": inputs, "Wg": Wg, "bg": bg, "W1": W1, "b1": b1, "W2": W2, "b2": b2}


def reference(inputs, Wg, bg, W1, b1, W2, b2):
    tokens = inputs.reshape(-1, D)  # [T, D]
    # gate (router_part): linear gate -> top-1 router with capacity
    logits = tokens @ Wg + bg  # [T, E]
    probs = jax.nn.softmax(logits, axis=-1)
    idx = jnp.argmax(probs, axis=-1)  # [T] (int, non-differentiable)
    mask = jax.nn.one_hot(idx, E, dtype=jnp.float32)  # [T, E]
    # 0-based position of each token within its expert's queue
    pos = jnp.cumsum(mask, axis=0) * mask - mask  # [T, E]
    keep = mask * (pos < CAP).astype(jnp.float32)  # drop overflow tokens
    loc = jnp.sum(pos * keep, axis=1).astype(jnp.int32)  # [T]
    gate_val = jnp.sum(probs * keep, axis=1)  # [T]
    loc_oh = jax.nn.one_hot(loc, CAP, dtype=jnp.float32)  # [T, C]
    combine_weights = gate_val[:, None, None] * keep[:, :, None] * loc_oh[:, None, :]  # [T, E, C]
    sec_mask_f = (combine_weights > 0).astype(inputs.dtype)  # [T, E, C]
    # dispatch: sec_mask.permute(1,2,0) @ tokens  -> [E, C, D]
    dispatch_data = jnp.einsum('tec,td->ecd', sec_mask_f, tokens)
    # experts: per-expert 2-layer FFN (AllToAll is identity on 1 device)
    h = jax.nn.relu(jnp.einsum('ecd,edf->ecf', dispatch_data, W1) + b1[:, None, :])
    expert_output = jnp.einsum('ecf,efd->ecd', h, W2) + b2[:, None, :]
    # combine: [T, E*C] @ [E*C, D]
    cw = combine_weights.reshape(combine_weights.shape[0], -1)
    ret = cw @ expert_output.reshape(-1, D)
    return ret.reshape(inputs.shape)

if __name__ == "__main__":
    import jax
    _d = setup_inputs()
    print(jax.jit(kernel)(*tuple(_d.values())))

</pallas_src>

<mosaic_0001>
#map = affine_map<(d0, d1) -> (0, 0)>
#map1 = affine_map<(d0, d1) -> (0)>
module attributes {stable_mosaic.version = 14 : i64} {
  func.func @k(%arg0: i32, %arg1: i32, %arg2: memref<2304x768xf32, #tpu.memory_space<hbm>>, %arg3: memref<2048xi32, #tpu.memory_space<hbm>>, %arg4: memref<2048x768xf32, #tpu.memory_space<hbm>>, %arg5: memref<64xi32, #tpu.memory_space<vmem>>, %arg6: memref<64x768xf32, #tpu.memory_space<vmem>>, %arg7: memref<!tpu.dma_semaphore, #tpu.memory_space<semaphore_mem>>, %arg8: memref<!tpu.dma_semaphore, #tpu.memory_space<semaphore_mem>>, %arg9: memref<!tpu.dma_semaphore, #tpu.memory_space<semaphore_mem>>, %arg10: memref<!tpu.dma_semaphore, #tpu.memory_space<semaphore_mem>>) attributes {dimension_semantics = [#tpu.dimension_semantics<core_parallel>, #tpu.dimension_semantics<subcore_parallel>], iteration_bounds = array<i64: 2, 16>, scalar_prefetch = 0 : i64, scratch_operands = 6 : i64, tpu.core_type = #tpu.core_type<sc_vector_subcore>, window_params = [{transform_indices = #map}, {transform_indices = #map1}, {transform_indices = #map}]} {
    %mul3A = arith.constant 2 : i32
    %mul3A_0 = arith.muli %arg1, %mul3A : i32
    %add3A = arith.addi %mul3A_0, %arg0 : i32
    %mul3A_1 = arith.constant 64 : i32
    %mul3A_2 = arith.muli %add3A, %mul3A_1 : i32
    "tpu.region"() ({
      %run_scoped3A = tpu.sem_alloc : memref<!tpu.dma_semaphore, #tpu.memory_space<semaphore_mem>>
      %dma_start3A_75 = tpu.memref_slice %arg3[%mul3A_2] : memref<2048xi32, #tpu.memory_space<hbm>> -> memref<64xi32, #tpu.memory_space<hbm>>
      %dma_start3A_76 = tpu.memref_slice %arg3[%mul3A_2] : memref<2048xi32, #tpu.memory_space<hbm>> -> memref<64xi32, #tpu.memory_space<hbm>>
      tpu.enqueue_dma source(%dma_start3A_76 : memref<64xi32, #tpu.memory_space<hbm>>) target(%arg5 : memref<64xi32, #tpu.memory_space<vmem>>) target_semaphore(%run_scoped3A : memref<!tpu.dma_semaphore, #tpu.memory_space<semaphore_mem>>)
      %dma_wait3A_77 = tpu.memref_slice %arg3[%mul3A_2] : memref<2048xi32, #tpu.memory_space<hbm>> -> memref<64xi32, #tpu.memory_space<hbm>>
      %dma_wait3A_78 = tpu.memref_slice %arg3[%mul3A_2] : memref<2048xi32, #tpu.memory_space<hbm>> -> memref<64xi32, #tpu.memory_space<hbm>>
      tpu.wait_dma2 semaphore(%run_scoped3A : memref<!tpu.dma_semaphore, #tpu.memory_space<semaphore_mem>>) src(%dma_wait3A_78 : memref<64xi32, #tpu.memory_space<hbm>>) dst(%arg5 : memref<64xi32, #tpu.memory_space<vmem>>)
      tpu.yield
    }) : () -> ()
    %dma_start3A = arith.constant 0 : i32
    %dma_start3A_3 = arith.constant 0 : i32
    %dma_start3A_4 = tpu.memref_slice %arg6[%dma_start3A, %dma_start3A_3] : memref<64x768xf32, #tpu.memory_space<vmem>> -> memref<32x768xf32, #tpu.memory_space<vmem>>
    %dma_start3A_5 = arith.constant 0 : i32
    %dma_start3A_6 = tpu.memref_slice %arg5[%dma_start3A_5] : memref<64xi32, #tpu.memory_space<vmem>> -> memref<32xi32, #tpu.memory_space<vmem>>
    %dma_start3A_7 = arith.constant 0 : i32
    %dma_start3A_8 = arith.constant 0 : i32
    %dma_start3A_9 = tpu.memref_slice %arg2[%dma_start3A_7, %dma_start3A_8] : memref<2304x768xf32, #tpu.memory_space<hbm>> -> memref<2304x768xf32, #tpu.memory_space<hbm>>
    tpu.enqueue_indirect_dma source(%dma_start3A_9 : memref<2304x768xf32, #tpu.memory_space<hbm>>) target(%dma_start3A_4 : memref<32x768xf32, #tpu.memory_space<vmem>>) offsets(%dma_start3A_6 : memref<32xi32, #tpu.memory_space<vmem>>) semaphore(%arg7 : memref<!tpu.dma_semaphore, #tpu.memory_space<semaphore_mem>>)
    %dma_start3A_10 = arith.constant 32 : i32
    %dma_start3A_11 = arith.constant 0 : i32
    %dma_start3A_12 = tpu.memref_slice %arg6[%dma_start3A_10, %dma_start3A_11] : memref<64x768xf32, #tpu.memory_space<vmem>> -> memref<32x768xf32, #tpu.memory_space<vmem>>
    %dma_start3A_13 = arith.constant 32 : i32
    %dma_start3A_14 = tpu.memref_slice %arg5[%dma_start3A_13] : memref<64xi32, #tpu.memory_space<vmem>> -> memref<32xi32, #tpu.memory_space<vmem>>
    %dma_start3A_15 = arith.constant 0 : i32
    %dma_start3A_16 = arith.constant 0 : i32
    %dma_start3A_17 = tpu.memref_slice %arg2[%dma_start3A_15, %dma_start3A_16] : memref<2304x768xf32, #tpu.memory_space<hbm>> -> memref<2304x768xf32, #tpu.memory_space<hbm>>
    tpu.enqueue_indirect_dma source(%dma_start3A_17 : memref<2304x768xf32, #tpu.memory_space<hbm>>) target(%dma_start3A_12 : memref<32x768xf32, #tpu.memory_space<vmem>>) offsets(%dma_start3A_14 : memref<32xi32, #tpu.memory_space<vmem>>) semaphore(%arg8 : memref<!tpu.dma_semaphore, #tpu.memory_space<semaphore_mem>>)
    %dma_wait3A = arith.constant 0 : i32
    %dma_wait3A_18 = arith.constant 0 : i32
    %dma_wait3A_19 = tpu.memref_slice %arg6[%dma_wait3A, %dma_wait3A_18] : memref<64x768xf32, #tpu.memory_space<vmem>> -> memref<32x768xf32, #tpu.memory_space<vmem>>
    %dma_wait3A_20 = arith.constant 0 : i32
    %dma_wait3A_21 = tpu.memref_slice %arg5[%dma_wait3A_20] : memref<64xi32, #tpu.memory_space<vmem>> -> memref<32xi32, #tpu.memory_space<vmem>>
    %dma_wait3A_22 = arith.constant 0 : i32
    %dma_wait3A_23 = arith.constant 0 : i32
    %dma_wait3A_24 = tpu.memref_slice %arg2[%dma_wait3A_22, %dma_wait3A_23] : memref<2304x768xf32, #tpu.memory_space<hbm>> -> memref<2304x768xf32, #tpu.memory_space<hbm>>
    tpu.wait_indirect_dma semaphore(%arg7 : memref<!tpu.dma_semaphore, #tpu.memory_space<semaphore_mem>>) src(%dma_wait3A_24 : memref<2304x768xf32, #tpu.memory_space<hbm>>) dst(%dma_wait3A_19 : memref<32x768xf32, #tpu.memory_space<vmem>>)
    %dma_start3A_25 = arith.constant 0 : i32
    %dma_start3A_26 = arith.constant 0 : i32
    %dma_start3A_27 = tpu.memref_slice %arg6[%dma_start3A_25, %dma_start3A_26] : memref<64x768xf32, #tpu.memory_space<vmem>> -> memref<32x768xf32, #tpu.memory_space<vmem>>
    %dma_start3A_28 = arith.constant 0 : i32
    %dma_start3A_29 = tpu.memref_slice %arg4[%mul3A_2, %dma_start3A_28] : memref<2048x768xf32, #tpu.memory_space<hbm>> -> memref<32x768xf32, #tpu.memory_space<hbm>>
    %dma_start3A_30 = arith.constant 0 : i32
    %dma_start3A_31 = tpu.memref_slice %arg4[%mul3A_2, %dma_start3A_30] : memref<2048x768xf32, #tpu.memory_space<hbm>> -> memref<32x768xf32, #tpu.memory_space<hbm>>
    %dma_start3A_32 = arith.constant 0 : i32
    %dma_start3A_33 = arith.constant 0 : i32
    %dma_start3A_34 = tpu.memref_slice %arg6[%dma_start3A_32, %dma_start3A_33] : memref<64x768xf32, #tpu.memory_space<vmem>> -> memref<32x768xf32, #tpu.memory_space<vmem>>
    tpu.enqueue_dma source(%dma_start3A_34 : memref<32x768xf32, #tpu.memory_space<vmem>>) target(%dma_start3A_31 : memref<32x768xf32, #tpu.memory_space<hbm>>) target_semaphore(%arg9 : memref<!tpu.dma_semaphore, #tpu.memory_space<semaphore_mem>>)
    %dma_wait3A_35 = arith.constant 32 : i32
    %dma_wait3A_36 = arith.constant 0 : i32
    %dma_wait3A_37 = tpu.memref_slice %arg6[%dma_wait3A_35, %dma_wait3A_36] : memref<64x768xf32, #tpu.memory_space<vmem>> -> memref<32x768xf32, #tpu.memory_space<vmem>>
    %dma_wait3A_38 = arith.constant 32 : i32
    %dma_wait3A_39 = tpu.memref_slice %arg5[%dma_wait3A_38] : memref<64xi32, #tpu.memory_space<vmem>> -> memref<32xi32, #tpu.memory_space<vmem>>
    %dma_wait3A_40 = arith.constant 0 : i32
    %dma_wait3A_41 = arith.constant 0 : i32
    %dma_wait3A_42 = tpu.memref_slice %arg2[%dma_wait3A_40, %dma_wait3A_41] : memref<2304x768xf32, #tpu.memory_space<hbm>> -> memref<2304x768xf32, #tpu.memory_space<hbm>>
    tpu.wait_indirect_dma semaphore(%arg8 : memref<!tpu.dma_semaphore, #tpu.memory_space<semaphore_mem>>) src(%dma_wait3A_42 : memref<2304x768xf32, #tpu.memory_space<hbm>>) dst(%dma_wait3A_37 : memref<32x768xf32, #tpu.memory_space<vmem>>)
    %add3A_43 = arith.constant 32 : i32
    %add3A_44 = arith.addi %mul3A_2, %add3A_43 : i32
    %dma_start3A_45 = arith.constant 32 : i32
    %dma_start3A_46 = arith.constant 0 : i32
    %dma_start3A_47 = tpu.memref_slice %arg6[%dma_start3A_45, %dma_start3A_46] : memref<64x768xf32, #tpu.memory_space<vmem>> -> memref<32x768xf32, #tpu.memory_space<vmem>>
    %dma_start3A_48 = arith.constant 0 : i32
    %dma_start3A_49 = tpu.memref_slice %arg4[%add3A_44, %dma_start3A_48] : memref<2048x768xf32, #tpu.memory_space<hbm>> -> memref<32x768xf32, #tpu.memory_space<hbm>>
    %dma_start3A_50 = arith.constant 0 : i32
    %dma_start3A_51 = tpu.memref_slice %arg4[%add3A_44, %dma_start3A_50] : memref<2048x768xf32, #tpu.memory_space<hbm>> -> memref<32x768xf32, #tpu.memory_space<hbm>>
    %dma_start3A_52 = arith.constant 32 : i32
    %dma_start3A_53 = arith.constant 0 : i32
    %dma_start3A_54 = tpu.memref_slice %arg6[%dma_start3A_52, %dma_start3A_53] : memref<64x768xf32, #tpu.memory_space<vmem>> -> memref<32x768xf32, #tpu.memory_space<vmem>>
    tpu.enqueue_dma source(%dma_start3A_54 : memref<32x768xf32, #tpu.memory_space<vmem>>) target(%dma_start3A_51 : memref<32x768xf32, #tpu.memory_space<hbm>>) target_semaphore(%arg10 : memref<!tpu.dma_semaphore, #tpu.memory_space<semaphore_mem>>)
    %dma_wait3A_55 = arith.constant 0 : i32
    %dma_wait3A_56 = arith.constant 0 : i32
    %dma_wait3A_57 = tpu.memref_slice %arg6[%dma_wait3A_55, %dma_wait3A_56] : memref<64x768xf32, #tpu.memory_space<vmem>> -> memref<32x768xf32, #tpu.memory_space<vmem>>
    %dma_wait3A_58 = arith.constant 0 : i32
    %dma_wait3A_59 = tpu.memref_slice %arg4[%mul3A_2, %dma_wait3A_58] : memref<2048x768xf32, #tpu.memory_space<hbm>> -> memref<32x768xf32, #tpu.memory_space<hbm>>
    %dma_wait3A_60 = arith.constant 0 : i32
    %dma_wait3A_61 = tpu.memref_slice %arg4[%mul3A_2, %dma_wait3A_60] : memref<2048x768xf32, #tpu.memory_space<hbm>> -> memref<32x768xf32, #tpu.memory_space<hbm>>
    %dma_wait3A_62 = arith.constant 0 : i32
    %dma_wait3A_63 = arith.constant 0 : i32
    %dma_wait3A_64 = tpu.memref_slice %arg6[%dma_wait3A_62, %dma_wait3A_63] : memref<64x768xf32, #tpu.memory_space<vmem>> -> memref<32x768xf32, #tpu.memory_space<vmem>>
    tpu.wait_dma2 semaphore(%arg9 : memref<!tpu.dma_semaphore, #tpu.memory_space<semaphore_mem>>) src(%dma_wait3A_64 : memref<32x768xf32, #tpu.memory_space<vmem>>) dst(%dma_wait3A_61 : memref<32x768xf32, #tpu.memory_space<hbm>>)
    %dma_wait3A_65 = arith.constant 32 : i32
    %dma_wait3A_66 = arith.constant 0 : i32
    %dma_wait3A_67 = tpu.memref_slice %arg6[%dma_wait3A_65, %dma_wait3A_66] : memref<64x768xf32, #tpu.memory_space<vmem>> -> memref<32x768xf32, #tpu.memory_space<vmem>>
    %dma_wait3A_68 = arith.constant 0 : i32
    %dma_wait3A_69 = tpu.memref_slice %arg4[%add3A_44, %dma_wait3A_68] : memref<2048x768xf32, #tpu.memory_space<hbm>> -> memref<32x768xf32, #tpu.memory_space<hbm>>
    %dma_wait3A_70 = arith.constant 0 : i32
    %dma_wait3A_71 = tpu.memref_slice %arg4[%add3A_44, %dma_wait3A_70] : memref<2048x768xf32, #tpu.memory_space<hbm>> -> memref<32x768xf32, #tpu.memory_space<hbm>>
    %dma_wait3A_72 = arith.constant 32 : i32
    %dma_wait3A_73 = arith.constant 0 : i32
    %dma_wait3A_74 = tpu.memref_slice %arg6[%dma_wait3A_72, %dma_wait3A_73] : memref<64x768xf32, #tpu.memory_space<vmem>> -> memref<32x768xf32, #tpu.memory_space<vmem>>
    tpu.wait_dma2 semaphore(%arg10 : memref<!tpu.dma_semaphore, #tpu.memory_space<semaphore_mem>>) src(%dma_wait3A_74 : memref<32x768xf32, #tpu.memory_space<vmem>>) dst(%dma_wait3A_71 : memref<32x768xf32, #tpu.memory_space<hbm>>)
    return
  }
}

#map = affine_map<(d0, d1) -> (0, 0, 0)>
#map1 = affine_map<(d0, d1) -> (0)>
#map2 = affine_map<(d0, d1) -> (0, 0)>
module attributes {stable_mosaic.version = 14 : i64} {
  func.func @k(%arg0: i32, %arg1: i32, %arg2: memref<1x2048x768xf32, #tpu.memory_space<hbm>>, %arg3: memref<2048xi32, #tpu.memory_space<hbm>>, %arg4: memref<2048x128xf32, #tpu.memory_space<hbm>>, %arg5: memref<2304x768xf32, #tpu.memory_space<hbm>>, %arg6: memref<2304x128xf32, #tpu.memory_space<hbm>>, %arg7: memref<2x32xi32, #tpu.memory_space<vmem>>, %arg8: memref<64x768xf32, #tpu.memory_space<vmem>>, %arg9: memref<64x128xf32, #tpu.memory_space<vmem>>, %arg10: memref<!tpu.dma_semaphore, #tpu.memory_space<semaphore_mem>>, %arg11: memref<!tpu.dma_semaphore, #tpu.memory_space<semaphore_mem>>, %arg12: memref<!tpu.dma_semaphore, #tpu.memory_space<semaphore_mem>>, %arg13: memref<!tpu.dma_semaphore, #tpu.memory_space<semaphore_mem>>) attributes {dimension_semantics = [#tpu.dimension_semantics<core_parallel>, #tpu.dimension_semantics<subcore_parallel>], iteration_bounds = array<i64: 2, 16>, scalar_prefetch = 0 : i64, scratch_operands = 7 : i64, tpu.core_type = #tpu.core_type<sc_vector_subcore>, window_params = [{transform_indices = #map}, {transform_indices = #map1}, {transform_indices = #map2}, {transform_indices = #map2}, {transform_indices = #map2}]} {
    %mul3A = arith.constant 2 : i32
    %mul3A_0 = arith.muli %arg1, %mul3A : i32
    %add3A = arith.addi %mul3A_0, %arg0 : i32
    %mul3A_1 = arith.constant 64 : i32
    %mul3A_2 = arith.muli %add3A, %mul3A_1 : i32
    %dma_start3A = arith.constant 0 : i32
    %dma_start3A_3 = arith.constant 0 : i32
    %dma_start3A_4 = arith.constant 0 : i32
    %dma_start3A_5 = tpu.memref_slice %arg8[%dma_start3A_3, %dma_start3A_4] : memref<64x768xf32, #tpu.memory_space<vmem>> -> memref<32x768xf32, #tpu.memory_space<vmem>>
    %dma_start3A_6 = arith.constant 0 : i32
    %dma_start3A_7 = tpu.memref_slice %arg2[%dma_start3A, %mul3A_2, %dma_start3A_6] : memref<1x2048x768xf32, #tpu.memory_space<hbm>> -> memref<1x32x768xf32, #tpu.memory_space<hbm>>
    %dma_start3A_8 = tpu.memref_squeeze %dma_start3A_7 : memref<1x32x768xf32, #tpu.memory_space<hbm>> -> memref<32x768xf32, #tpu.memory_space<hbm>>
    %dma_start3A_9 = arith.constant 0 : i32
    %dma_start3A_10 = arith.constant 0 : i32
    %dma_start3A_11 = tpu.memref_slice %arg8[%dma_start3A_9, %dma_start3A_10] : memref<64x768xf32, #tpu.memory_space<vmem>> -> memref<32x768xf32, #tpu.memory_space<vmem>>
    %dma_start3A_12 = arith.constant 0 : i32
    %dma_start3A_13 = tpu.memref_slice %arg2[%dma_start3A, %mul3A_2, %dma_start3A_12] : memref<1x2048x768xf32, #tpu.memory_space<hbm>> -> memref<1x32x768xf32, #tpu.memory_space<hbm>>
    %dma_start3A_14 = tpu.memref_squeeze %dma_start3A_13 : memref<1x32x768xf32, #tpu.memory_space<hbm>> -> memref<32x768xf32, #tpu.memory_space<hbm>>
    tpu.enqueue_dma source(%dma_start3A_14 : memref<32x768xf32, #tpu.memory_space<hbm>>) target(%dma_start3A_11 : memref<32x768xf32, #tpu.memory_space<vmem>>) target_semaphore(%arg10 : memref<!tpu.dma_semaphore, #tpu.memory_space<semaphore_mem>>)
    %add3A_15 = arith.constant 32 : i32
    %add3A_16 = arith.addi %mul3A_2, %add3A_15 : i32
    %dma_start3A_17 = arith.constant 0 : i32
    %dma_start3A_18 = arith.constant 32 : i32
    %dma_start3A_19 = arith.constant 0 : i32
    %dma_start3A_20 = tpu.memref_slice %arg8[%dma_start3A_18, %dma_start3A_19] : memref<64x768xf32, #tpu.memory_space<vmem>> -> memref<32x768xf32, #tpu.memory_space<vmem>>
    %dma_start3A_21 = arith.constant 0 : i32
    %dma_start3A_22 = tpu.memref_slice %arg2[%dma_start3A_17, %add3A_16, %dma_start3A_21] : memref<1x2048x768xf32, #tpu.memory_space<hbm>> -> memref<1x32x768xf32, #tpu.memory_space<hbm>>
    %dma_start3A_23 = tpu.memref_squeeze %dma_start3A_22 : memref<1x32x768xf32, #tpu.memory_space<hbm>> -> memref<32x768xf32, #tpu.memory_space<hbm>>
    %dma_start3A_24 = arith.constant 32 : i32
    %dma_start3A_25 = arith.constant 0 : i32
    %dma_start3A_26 = tpu.memref_slice %arg8[%dma_start3A_24, %dma_start3A_25] : memref<64x768xf32, #tpu.memory_space<vmem>> -> memref<32x768xf32, #tpu.memory_space<vmem>>
    %dma_start3A_27 = arith.constant 0 : i32
    %dma_start3A_28 = tpu.memref_slice %arg2[%dma_start3A_17, %add3A_16, %dma_start3A_27] : memref<1x2048x768xf32, #tpu.memory_space<hbm>> -> memref<1x32x768xf32, #tpu.memory_space<hbm>>
    %dma_start3A_29 = tpu.memref_squeeze %dma_start3A_28 : memref<1x32x768xf32, #tpu.memory_space<hbm>> -> memref<32x768xf32, #tpu.memory_space<hbm>>
    tpu.enqueue_dma source(%dma_start3A_29 : memref<32x768xf32, #tpu.memory_space<hbm>>) target(%dma_start3A_26 : memref<32x768xf32, #tpu.memory_space<vmem>>) target_semaphore(%arg11 : memref<!tpu.dma_semaphore, #tpu.memory_space<semaphore_mem>>)
    %run_scoped3A = arith.constant 0 : i32
    "tpu.region"() ({
      %run_scoped3A_100 = tpu.sem_alloc : memref<!tpu.dma_semaphore, #tpu.memory_space<semaphore_mem>>
      %dma_start3A_101 = arith.constant 0 : i32
      %dma_start3A_102 = tpu.memref_slice %arg7[%run_scoped3A, %dma_start3A_101] : memref<2x32xi32, #tpu.memory_space<vmem>> -> memref<1x32xi32, #tpu.memory_space<vmem>>
      %dma_start3A_103 = tpu.memref_squeeze %dma_start3A_102 : memref<1x32xi32, #tpu.memory_space<vmem>> -> memref<32xi32, #tpu.memory_space<vmem>>
      %dma_start3A_104 = tpu.memref_slice %arg3[%mul3A_2] : memref<2048xi32, #tpu.memory_space<hbm>> -> memref<32xi32, #tpu.memory_space<hbm>>
      %dma_start3A_105 = arith.constant 0 : i32
      %dma_start3A_106 = tpu.memref_slice %arg7[%run_scoped3A, %dma_start3A_105] : memref<2x32xi32, #tpu.memory_space<vmem>> -> memref<1x32xi32, #tpu.memory_space<vmem>>
      %dma_start3A_107 = tpu.memref_squeeze %dma_start3A_106 : memref<1x32xi32, #tpu.memory_space<vmem>> -> memref<32xi32, #tpu.memory_space<vmem>>
      %dma_start3A_108 = tpu.memref_slice %arg3[%mul3A_2] : memref<2048xi32, #tpu.memory_space<hbm>> -> memref<32xi32, #tpu.memory_space<hbm>>
      tpu.enqueue_dma source(%dma_start3A_108 : memref<32xi32, #tpu.memory_space<hbm>>) target(%dma_start3A_107 : memref<32xi32, #tpu.memory_space<vmem>>) target_semaphore(%run_scoped3A_100 : memref<!tpu.dma_semaphore, #tpu.memory_space<semaphore_mem>>)
      %dma_wait3A_109 = arith.constant 0 : i32
      %dma_wait3A_110 = tpu.memref_slice %arg7[%run_scoped3A, %dma_wait3A_109] : memref<2x32xi32, #tpu.memory_space<vmem>> -> memref<1x32xi32, #tpu.memory_space<vmem>>
      %dma_wait3A_111 = tpu.memref_squeeze %dma_wait3A_110 : memref<1x32xi32, #tpu.memory_space<vmem>> -> memref<32xi32, #tpu.memory_space<vmem>>
      %dma_wait3A_112 = tpu.memref_slice %arg3[%mul3A_2] : memref<2048xi32, #tpu.memory_space<hbm>> -> memref<32xi32, #tpu.memory_space<hbm>>
      %dma_wait3A_113 = arith.constant 0 : i32
      %dma_wait3A_114 = tpu.memref_slice %arg7[%run_scoped3A, %dma_wait3A_113] : memref<2x32xi32, #tpu.memory_space<vmem>> -> memref<1x32xi32, #tpu.memory_space<vmem>>
      %dma_wait3A_115 = tpu.memref_squeeze %dma_wait3A_114 : memref<1x32xi32, #tpu.memory_space<vmem>> -> memref<32xi32, #tpu.memory_space<vmem>>
      %dma_wait3A_116 = tpu.memref_slice %arg3[%mul3A_2] : memref<2048xi32, #tpu.memory_space<hbm>> -> memref<32xi32, #tpu.memory_space<hbm>>
      tpu.wait_dma2 semaphore(%run_scoped3A_100 : memref<!tpu.dma_semaphore, #tpu.memory_space<semaphore_mem>>) src(%dma_wait3A_116 : memref<32xi32, #tpu.memory_space<hbm>>) dst(%dma_wait3A_115 : memref<32xi32, #tpu.memory_space<vmem>>)
      tpu.yield
    }) : () -> ()
    %add3A_30 = arith.constant 32 : i32
    %add3A_31 = arith.addi %mul3A_2, %add3A_30 : i32
    %run_scoped3A_32 = arith.constant 1 : i32
    "tpu.region"() ({
      %run_scoped3A_100 = tpu.sem_alloc : memref<!tpu.dma_semaphore, #tpu.memory_space<semaphore_mem>>
      %dma_start3A_101 = arith.constant 0 : i32
      %dma_start3A_102 = tpu.memref_slice %arg7[%run_scoped3A_32, %dma_start3A_101] : memref<2x32xi32, #tpu.memory_space<vmem>> -> memref<1x32xi32, #tpu.memory_space<vmem>>
      %dma_start3A_103 = tpu.memref_squeeze %dma_start3A_102 : memref<1x32xi32, #tpu.memory_space<vmem>> -> memref<32xi32, #tpu.memory_space<vmem>>
      %dma_start3A_104 = tpu.memref_slice %arg3[%add3A_31] : memref<2048xi32, #tpu.memory_space<hbm>> -> memref<32xi32, #tpu.memory_space<hbm>>
      %dma_start3A_105 = arith.constant 0 : i32
      %dma_start3A_106 = tpu.memref_slice %arg7[%run_scoped3A_32, %dma_start3A_105] : memref<2x32xi32, #tpu.memory_space<vmem>> -> memref<1x32xi32, #tpu.memory_space<vmem>>
      %dma_start3A_107 = tpu.memref_squeeze %dma_start3A_106 : memref<1x32xi32, #tpu.memory_space<vmem>> -> memref<32xi32, #tpu.memory_space<vmem>>
      %dma_start3A_108 = tpu.memref_slice %arg3[%add3A_31] : memref<2048xi32, #tpu.memory_space<hbm>> -> memref<32xi32, #tpu.memory_space<hbm>>
      tpu.enqueue_dma source(%dma_start3A_108 : memref<32xi32, #tpu.memory_space<hbm>>) target(%dma_start3A_107 : memref<32xi32, #tpu.memory_space<vmem>>) target_semaphore(%run_scoped3A_100 : memref<!tpu.dma_semaphore, #tpu.memory_space<semaphore_mem>>)
      %dma_wait3A_109 = arith.constant 0 : i32
      %dma_wait3A_110 = tpu.memref_slice %arg7[%run_scoped3A_32, %dma_wait3A_109] : memref<2x32xi32, #tpu.memory_space<vmem>> -> memref<1x32xi32, #tpu.memory_space<vmem>>
      %dma_wait3A_111 = tpu.memref_squeeze %dma_wait3A_110 : memref<1x32xi32, #tpu.memory_space<vmem>> -> memref<32xi32, #tpu.memory_space<vmem>>
      %dma_wait3A_112 = tpu.memref_slice %arg3[%add3A_31] : memref<2048xi32, #tpu.memory_space<hbm>> -> memref<32xi32, #tpu.memory_space<hbm>>
      %dma_wait3A_113 = arith.constant 0 : i32
      %dma_wait3A_114 = tpu.memref_slice %arg7[%run_scoped3A_32, %dma_wait3A_113] : memref<2x32xi32, #tpu.memory_space<vmem>> -> memref<1x32xi32, #tpu.memory_space<vmem>>
      %dma_wait3A_115 = tpu.memref_squeeze %dma_wait3A_114 : memref<1x32xi32, #tpu.memory_space<vmem>> -> memref<32xi32, #tpu.memory_space<vmem>>
      %dma_wait3A_116 = tpu.memref_slice %arg3[%add3A_31] : memref<2048xi32, #tpu.memory_space<hbm>> -> memref<32xi32, #tpu.memory_space<hbm>>
      tpu.wait_dma2 semaphore(%run_scoped3A_100 : memref<!tpu.dma_semaphore, #tpu.memory_space<semaphore_mem>>) src(%dma_wait3A_116 : memref<32xi32, #tpu.memory_space<hbm>>) dst(%dma_wait3A_115 : memref<32xi32, #tpu.memory_space<vmem>>)
      tpu.yield
    }) : () -> ()
    "tpu.region"() ({
      %run_scoped3A_100 = tpu.sem_alloc : memref<!tpu.dma_semaphore, #tpu.memory_space<semaphore_mem>>
      %dma_start3A_101 = arith.constant 0 : i32
      %dma_start3A_102 = tpu.memref_slice %arg4[%mul3A_2, %dma_start3A_101] : memref<2048x128xf32, #tpu.memory_space<hbm>> -> memref<64x128xf32, #tpu.memory_space<hbm>>
      %dma_start3A_103 = arith.constant 0 : i32
      %dma_start3A_104 = tpu.memref_slice %arg4[%mul3A_2, %dma_start3A_103] : memref<2048x128xf32, #tpu.memory_space<hbm>> -> memref<64x128xf32, #tpu.memory_space<hbm>>
      tpu.enqueue_dma source(%dma_start3A_104 : memref<64x128xf32, #tpu.memory_space<hbm>>) target(%arg9 : memref<64x128xf32, #tpu.memory_space<vmem>>) target_semaphore(%run_scoped3A_100 : memref<!tpu.dma_semaphore, #tpu.memory_space<semaphore_mem>>)
      %dma_wait3A_105 = arith.constant 0 : i32
      %dma_wait3A_106 = tpu.memref_slice %arg4[%mul3A_2, %dma_wait3A_105] : memref<2048x128xf32, #tpu.memory_space<hbm>> -> memref<64x128xf32, #tpu.memory_space<hbm>>
      %dma_wait3A_107 = arith.constant 0 : i32
      %dma_wait3A_108 = tpu.memref_slice %arg4[%mul3A_2, %dma_wait3A_107] : memref<2048x128xf32, #tpu.memory_space<hbm>> -> memref<64x128xf32, #tpu.memory_space<hbm>>
      tpu.wait_dma2 semaphore(%run_scoped3A_100 : memref<!tpu.dma_semaphore, #tpu.memory_space<semaphore_mem>>) src(%dma_wait3A_108 : memref<64x128xf32, #tpu.memory_space<hbm>>) dst(%arg9 : memref<64x128xf32, #tpu.memory_space<vmem>>)
      tpu.yield
    }) : () -> ()
    %dma_wait3A = arith.constant 0 : i32
    %dma_wait3A_33 = arith.constant 0 : i32
    %dma_wait3A_34 = arith.constant 0 : i32
    %dma_wait3A_35 = tpu.memref_slice %arg8[%dma_wait3A_33, %dma_wait3A_34] : memref<64x768xf32, #tpu.memory_space<vmem>> -> memref<32x768xf32, #tpu.memory_space<vmem>>
    %dma_wait3A_36 = arith.constant 0 : i32
    %dma_wait3A_37 = tpu.memref_slice %arg2[%dma_wait3A, %mul3A_2, %dma_wait3A_36] : memref<1x2048x768xf32, #tpu.memory_space<hbm>> -> memref<1x32x768xf32, #tpu.memory_space<hbm>>
    %dma_wait3A_38 = tpu.memref_squeeze %dma_wait3A_37 : memref<1x32x768xf32, #tpu.memory_space<hbm>> -> memref<32x768xf32, #tpu.memory_space<hbm>>
    %dma_wait3A_39 = arith.constant 0 : i32
    %dma_wait3A_40 = arith.constant 0 : i32
    %dma_wait3A_41 = tpu.memref_slice %arg8[%dma_wait3A_39, %dma_wait3A_40] : memref<64x768xf32, #tpu.memory_space<vmem>> -> memref<32x768xf32, #tpu.memory_space<vmem>>
    %dma_wait3A_42 = arith.constant 0 : i32
    %dma_wait3A_43 = tpu.memref_slice %arg2[%dma_wait3A, %mul3A_2, %dma_wait3A_42] : memref<1x2048x768xf32, #tpu.memory_space<hbm>> -> memref<1x32x768xf32, #tpu.memory_space<hbm>>
    %dma_wait3A_44 = tpu.memref_squeeze %dma_wait3A_43 : memref<1x32x768xf32, #tpu.memory_space<hbm>> -> memref<32x768xf32, #tpu.memory_space<hbm>>
    tpu.wait_dma2 semaphore(%arg10 : memref<!tpu.dma_semaphore, #tpu.memory_space<semaphore_mem>>) src(%dma_wait3A_44 : memref<32x768xf32, #tpu.memory_space<hbm>>) dst(%dma_wait3A_41 : memref<32x768xf32, #tpu.memory_space<vmem>>)
    %dma_start3A_45 = arith.constant 0 : i32
    %dma_start3A_46 = arith.constant 0 : i32
    %dma_start3A_47 = arith.constant 0 : i32
    %dma_start3A_48 = tpu.memref_slice %arg8[%dma_start3A_46, %dma_start3A_47] : memref<64x768xf32, #tpu.memory_space<vmem>> -> memref<32x768xf32, #tpu.memory_space<vmem>>
    %dma_start3A_49 = arith.constant 0 : i32
    %dma_start3A_50 = tpu.memref_slice %arg7[%dma_start3A_45, %dma_start3A_49] : memref<2x32xi32, #tpu.memory_space<vmem>> -> memref<1x32xi32, #tpu.memory_space<vmem>>
    %dma_start3A_51 = tpu.memref_squeeze %dma_start3A_50 : memref<1x32xi32, #tpu.memory_space<vmem>> -> memref<32xi32, #tpu.memory_space<vmem>>
    %dma_start3A_52 = arith.constant 0 : i32
    %dma_start3A_53 = arith.constant 0 : i32
    %dma_start3A_54 = tpu.memref_slice %arg5[%dma_start3A_52, %dma_start3A_53] : memref<2304x768xf32, #tpu.memory_space<hbm>> -> memref<2304x768xf32, #tpu.memory_space<hbm>>
    tpu.enqueue_indirect_dma source(%dma_start3A_48 : memref<32x768xf32, #tpu.memory_space<vmem>>) target(%dma_start3A_54 : memref<2304x768xf32, #tpu.memory_space<hbm>>) offsets(%dma_start3A_51 : memref<32xi32, #tpu.memory_space<vmem>>) semaphore(%arg12 : memref<!tpu.dma_semaphore, #tpu.memory_space<semaphore_mem>>)
    %dma_wait3A_55 = arith.constant 0 : i32
    %dma_wait3A_56 = arith.constant 32 : i32
    %dma_wait3A_57 = arith.constant 0 : i32
    %dma_wait3A_58 = tpu.memref_slice %arg8[%dma_wait3A_56, %dma_wait3A_57] : memref<64x768xf32, #tpu.memory_space<vmem>> -> memref<32x768xf32, #tpu.memory_space<vmem>>
    %dma_wait3A_59 = arith.constant 0 : i32
    %dma_wait3A_60 = tpu.memref_slice %arg2[%dma_wait3A_55, %add3A_16, %dma_wait3A_59] : memref<1x2048x768xf32, #tpu.memory_space<hbm>> -> memref<1x32x768xf32, #tpu.memory_space<hbm>>
    %dma_wait3A_61 = tpu.memref_squeeze %dma_wait3A_60 : memref<1x32x768xf32, #tpu.memory_space<hbm>> -> memref<32x768xf32, #tpu.memory_space<hbm>>
    %dma_wait3A_62 = arith.constant 32 : i32
    %dma_wait3A_63 = arith.constant 0 : i32
    %dma_wait3A_64 = tpu.memref_slice %arg8[%dma_wait3A_62, %dma_wait3A_63] : memref<64x768xf32, #tpu.memory_space<vmem>> -> memref<32x768xf32, #tpu.memory_space<vmem>>
    %dma_wait3A_65 = arith.constant 0 : i32
    %dma_wait3A_66 = tpu.memref_slice %arg2[%dma_wait3A_55, %add3A_16, %dma_wait3A_65] : memref<1x2048x768xf32, #tpu.memory_space<hbm>> -> memref<1x32x768xf32, #tpu.memory_space<hbm>>
    %dma_wait3A_67 = tpu.memref_squeeze %dma_wait3A_66 : memref<1x32x768xf32, #tpu.memory_space<hbm>> -> memref<32x768xf32, #tpu.memory_space<hbm>>
    tpu.wait_dma2 semaphore(%arg11 : memref<!tpu.dma_semaphore, #tpu.memory_space<semaphore_mem>>) src(%dma_wait3A_67 : memref<32x768xf32, #tpu.memory_space<hbm>>) dst(%dma_wait3A_64 : memref<32x768xf32, #tpu.memory_space<vmem>>)
    %dma_start3A_68 = arith.constant 1 : i32
    %dma_start3A_69 = arith.constant 32 : i32
    %dma_start3A_70 = arith.constant 0 : i32
    %dma_start3A_71 = tpu.memref_slice %arg8[%dma_start3A_69, %dma_start3A_70] : memref<64x768xf32, #tpu.memory_space<vmem>> -> memref<32x768xf32, #tpu.memory_space<vmem>>
    %dma_start3A_72 = arith.constant 0 : i32
    %dma_start3A_73 = tpu.memref_slice %arg7[%dma_start3A_68, %dma_start3A_72] : memref<2x32xi32, #tpu.memory_space<vmem>> -> memref<1x32xi32, #tpu.memory_space<vmem>>
    %dma_start3A_74 = tpu.memref_squeeze %dma_start3A_73 : memref<1x32xi32, #tpu.memory_space<vmem>> -> memref<32xi32, #tpu.memory_space<vmem>>
    %dma_start3A_75 = arith.constant 0 : i32
    %dma_start3A_76 = arith.constant 0 : i32
    %dma_start3A_77 = tpu.memref_slice %arg5[%dma_start3A_75, %dma_start3A_76] : memref<2304x768xf32, #tpu.memory_space<hbm>> -> memref<2304x768xf32, #tpu.memory_space<hbm>>
    tpu.enqueue_indirect_dma source(%dma_start3A_71 : memref<32x768xf32, #tpu.memory_space<vmem>>) target(%dma_start3A_77 : memref<2304x768xf32, #tpu.memory_space<hbm>>) offsets(%dma_start3A_74 : memref<32xi32, #tpu.memory_space<vmem>>) semaphore(%arg13 : memref<!tpu.dma_semaphore, #tpu.memory_space<semaphore_mem>>)
    %run_scoped3A_78 = arith.constant 0 : i32
    "tpu.region"() ({
      %run_scoped3A_100 = tpu.sem_alloc : memref<!tpu.dma_semaphore, #tpu.memory_space<semaphore_mem>>
      %dma_start3A_101 = arith.constant 0 : i32
      %dma_start3A_102 = arith.constant 0 : i32
      %dma_start3A_103 = tpu.memref_slice %arg9[%dma_start3A_101, %dma_start3A_102] : memref<64x128xf32, #tpu.memory_space<vmem>> -> memref<32x128xf32, #tpu.memory_space<vmem>>
      %dma_start3A_104 = arith.constant 0 : i32
      %dma_start3A_105 = tpu.memref_slice %arg7[%run_scoped3A_78, %dma_start3A_104] : memref<2x32xi32, #tpu.memory_space<vmem>> -> memref<1x32xi32, #tpu.memory_space<vmem>>
      %dma_start3A_106 = tpu.memref_squeeze %dma_start3A_105 : memref<1x32xi32, #tpu.memory_space<vmem>> -> memref<32xi32, #tpu.memory_space<vmem>>
      %dma_start3A_107 = arith.constant 0 : i32
      %dma_start3A_108 = arith.constant 0 : i32
      %dma_start3A_109 = tpu.memref_slice %arg6[%dma_start3A_107, %dma_start3A_108] : memref<2304x128xf32, #tpu.memory_space<hbm>> -> memref<2304x128xf32, #tpu.memory_space<hbm>>
      tpu.enqueue_indirect_dma source(%dma_start3A_103 : memref<32x128xf32, #tpu.memory_space<vmem>>) target(%dma_start3A_109 : memref<2304x128xf32, #tpu.memory_space<hbm>>) offsets(%dma_start3A_106 : memref<32xi32, #tpu.memory_space<vmem>>) semaphore(%run_scoped3A_100 : memref<!tpu.dma_semaphore, #tpu.memory_space<semaphore_mem>>)
      %dma_wait3A_110 = arith.constant 0 : i32
      %dma_wait3A_111 = arith.constant 0 : i32
      %dma_wait3A_112 = tpu.memref_slice %arg9[%dma_wait3A_110, %dma_wait3A_111] : memref<64x128xf32, #tpu.memory_space<vmem>> -> memref<32x128xf32, #tpu.memory_space<vmem>>
      %dma_wait3A_113 = arith.constant 0 : i32
      %dma_wait3A_114 = tpu.memref_slice %arg7[%run_scoped3A_78, %dma_wait3A_113] : memref<2x32xi32, #tpu.memory_space<vmem>> -> memref<1x32xi32, #tpu.memory_space<vmem>>
      %dma_wait3A_115 = tpu.memref_squeeze %dma_wait3A_114 : memref<1x32xi32, #tpu.memory_space<vmem>> -> memref<32xi32, #tpu.memory_space<vmem>>
      %dma_wait3A_116 = arith.constant 0 : i32
      %dma_wait3A_117 = arith.constant 0 : i32
      %dma_wait3A_118 = tpu.memref_slice %arg6[%dma_wait3A_116, %dma_wait3A_117] : memref<2304x128xf32, #tpu.memory_space<hbm>> -> memref<2304x128xf32, #tpu.memory_space<hbm>>
      tpu.wait_indirect_dma semaphore(%run_scoped3A_100 : memref<!tpu.dma_semaphore, #tpu.memory_space<semaphore_mem>>) src(%dma_wait3A_112 : memref<32x128xf32, #tpu.memory_space<vmem>>) dst(%dma_wait3A_118 : memref<2304x128xf32, #tpu.memory_space<hbm>>)
      tpu.yield
    }) : () -> ()
    %run_scoped3A_79 = arith.constant 1 : i32
    "tpu.region"() ({
      %run_scoped3A_100 = tpu.sem_alloc : memref<!tpu.dma_semaphore, #tpu.memory_space<semaphore_mem>>
      %dma_start3A_101 = arith.constant 32 : i32
      %dma_start3A_102 = arith.constant 0 : i32
      %dma_start3A_103 = tpu.memref_slice %arg9[%dma_start3A_101, %dma_start3A_102] : memref<64x128xf32, #tpu.memory_space<vmem>> -> memref<32x128xf32, #tpu.memory_space<vmem>>
      %dma_start3A_104 = arith.constant 0 : i32
      %dma_start3A_105 = tpu.memref_slice %arg7[%run_scoped3A_79, %dma_start3A_104] : memref<2x32xi32, #tpu.memory_space<vmem>> -> memref<1x32xi32, #tpu.memory_space<vmem>>
      %dma_start3A_106 = tpu.memref_squeeze %dma_start3A_105 : memref<1x32xi32, #tpu.memory_space<vmem>> -> memref<32xi32, #tpu.memory_space<vmem>>
      %dma_start3A_107 = arith.constant 0 : i32
      %dma_start3A_108 = arith.constant 0 : i32
      %dma_start3A_109 = tpu.memref_slice %arg6[%dma_start3A_107, %dma_start3A_108] : memref<2304x128xf32, #tpu.memory_space<hbm>> -> memref<2304x128xf32, #tpu.memory_space<hbm>>
      tpu.enqueue_indirect_dma source(%dma_start3A_103 : memref<32x128xf32, #tpu.memory_space<vmem>>) target(%dma_start3A_109 : memref<2304x128xf32, #tpu.memory_space<hbm>>) offsets(%dma_start3A_106 : memref<32xi32, #tpu.memory_space<vmem>>) semaphore(%run_scoped3A_100 : memref<!tpu.dma_semaphore, #tpu.memory_space<semaphore_mem>>)
      %dma_wait3A_110 = arith.constant 32 : i32
      %dma_wait3A_111 = arith.constant 0 : i32
      %dma_wait3A_112 = tpu.memref_slice %arg9[%dma_wait3A_110, %dma_wait3A_111] : memref<64x128xf32, #tpu.memory_space<vmem>> -> memref<32x128xf32, #tpu.memory_space<vmem>>
      %dma_wait3A_113 = arith.constant 0 : i32
      %dma_wait3A_114 = tpu.memref_slice %arg7[%run_scoped3A_79, %dma_wait3A_113] : memref<2x32xi32, #tpu.memory_space<vmem>> -> memref<1x32xi32, #tpu.memory_space<vmem>>
      %dma_wait3A_115 = tpu.memref_squeeze %dma_wait3A_114 : memref<1x32xi32, #tpu.memory_space<vmem>> -> memref<32xi32, #tpu.memory_space<vmem>>
      %dma_wait3A_116 = arith.constant 0 : i32
      %dma_wait3A_117 = arith.constant 0 : i32
      %dma_wait3A_118 = tpu.memref_slice %arg6[%dma_wait3A_116, %dma_wait3A_117] : memref<2304x128xf32, #tpu.memory_space<hbm>> -> memref<2304x128xf32, #tpu.memory_space<hbm>>
      tpu.wait_indirect_dma semaphore(%run_scoped3A_100 : memref<!tpu.dma_semaphore, #tpu.memory_space<semaphore_mem>>) src(%dma_wait3A_112 : memref<32x128xf32, #tpu.memory_space<vmem>>) dst(%dma_wait3A_118 : memref<2304x128xf32, #tpu.memory_space<hbm>>)
      tpu.yield
    }) : () -> ()
    %dma_wait3A_80 = arith.constant 0 : i32
    %dma_wait3A_81 = arith.constant 0 : i32
    %dma_wait3A_82 = arith.constant 0 : i32
    %dma_wait3A_83 = tpu.memref_slice %arg8[%dma_wait3A_81, %dma_wait3A_82] : memref<64x768xf32, #tpu.memory_space<vmem>> -> memref<32x768xf32, #tpu.memory_space<vmem>>
    %dma_wait3A_84 = arith.constant 0 : i32
    %dma_wait3A_85 = tpu.memref_slice %arg7[%dma_wait3A_80, %dma_wait3A_84] : memref<2x32xi32, #tpu.memory_space<vmem>> -> memref<1x32xi32, #tpu.memory_space<vmem>>
    %dma_wait3A_86 = tpu.memref_squeeze %dma_wait3A_85 : memref<1x32xi32, #tpu.memory_space<vmem>> -> memref<32xi32, #tpu.memory_space<vmem>>
    %dma_wait3A_87 = arith.constant 0 : i32
    %dma_wait3A_88 = arith.constant 0 : i32
    %dma_wait3A_89 = tpu.memref_slice %arg5[%dma_wait3A_87, %dma_wait3A_88] : memref<2304x768xf32, #tpu.memory_space<hbm>> -> memref<2304x768xf32, #tpu.memory_space<hbm>>
    tpu.wait_indirect_dma semaphore(%arg12 : memref<!tpu.dma_semaphore, #tpu.memory_space<semaphore_mem>>) src(%dma_wait3A_83 : memref<32x768xf32, #tpu.memory_space<vmem>>) dst(%dma_wait3A_89 : memref<2304x768xf32, #tpu.memory_space<hbm>>)
    %dma_wait3A_90 = arith.constant 1 : i32
    %dma_wait3A_91 = arith.constant 32 : i32
    %dma_wait3A_92 = arith.constant 0 : i32
    %dma_wait3A_93 = tpu.memref_slice %arg8[%dma_wait3A_91, %dma_wait3A_92] : memref<64x768xf32, #tpu.memory_space<vmem>> -> memref<32x768xf32, #tpu.memory_space<vmem>>
    %dma_wait3A_94 = arith.constant 0 : i32
    %dma_wait3A_95 = tpu.memref_slice %arg7[%dma_wait3A_90, %dma_wait3A_94] : memref<2x32xi32, #tpu.memory_space<vmem>> -> memref<1x32xi32, #tpu.memory_space<vmem>>
    %dma_wait3A_96 = tpu.memref_squeeze %dma_wait3A_95 : memref<1x32xi32, #tpu.memory_space<vmem>> -> memref<32xi32, #tpu.memory_space<vmem>>
    %dma_wait3A_97 = arith.constant 0 : i32
    %dma_wait3A_98 = arith.constant 0 : i32
    %dma_wait3A_99 = tpu.memref_slice %arg5[%dma_wait3A_97, %dma_wait3A_98] : memref<2304x768xf32, #tpu.memory_space<hbm>> -> memref<2304x768xf32, #tpu.memory_space<hbm>>
    tpu.wait_indirect_dma semaphore(%arg13 : memref<!tpu.dma_semaphore, #tpu.memory_space<semaphore_mem>>) src(%dma_wait3A_93 : memref<32x768xf32, #tpu.memory_space<vmem>>) dst(%dma_wait3A_99 : memref<2304x768xf32, #tpu.memory_space<hbm>>)
    return
  }
}

module attributes {stable_mosaic.version = 14 : i64} {
  func.func @_ffn_body(%arg0: i32, %arg1: memref<256x768xf32, #tpu.memory_space<vmem>>, %arg2: memref<256x128xf32, #tpu.memory_space<vmem>>, %arg3: memref<1x768x2048xf32, #tpu.memory_space<vmem>>, %arg4: memref<8x2048xf32, #tpu.memory_space<vmem>>, %arg5: memref<1x2048x768xf32, #tpu.memory_space<vmem>>, %arg6: memref<8x768xf32, #tpu.memory_space<vmem>>, %arg7: memref<256x768xf32, #tpu.memory_space<vmem>>) attributes {dimension_semantics = [#tpu.dimension_semantics<arbitrary>], iteration_bounds = array<i64: 9>, scalar_prefetch = 0 : i64, scratch_operands = 0 : i64, tpu.core_type = #tpu.core_type<tc>, window_params = [{transform_indices = @transform_0, window_bounds = array<i64: 256, 768>}, {transform_indices = @transform_1, window_bounds = array<i64: 256, 128>}, {transform_indices = @transform_2, window_bounds = array<i64: 1, 768, 2048>}, {pipeline_mode = #tpu.pipeline_mode<synchronous>, transform_indices = @transform_3, window_bounds = array<i64: 8, 2048>}, {transform_indices = @transform_4, window_bounds = array<i64: 1, 2048, 768>}, {pipeline_mode = #tpu.pipeline_mode<synchronous>, transform_indices = @transform_5, window_bounds = array<i64: 8, 768>}, {transform_indices = @transform_6, window_bounds = array<i64: 256, 768>}]} {
    %eq3A = arith.constant 8 : i32
    %eq3A_0 = arith.cmpi eq, %arg0, %eq3A : i32
    %convert_element_type3A = arith.extui %eq3A_0 : i1 to i32
    %cond3A = arith.constant 0 : i32
    %cond3A_1 = arith.cmpi ne, %convert_element_type3A, %cond3A : i32
    scf.if %cond3A_1 {
      %broadcast_in_dim3A = arith.constant 0.000000e+00 : f32
      %broadcast_in_dim3A_6 = vector.broadcast %broadcast_in_dim3A : f32 to vector<256x768xf32>
      %swap3A = arith.constant 0 : index
      %swap3A_7 = arith.constant 0 : index
      %swap3A_8 = vector.load %arg7[%swap3A, %swap3A_7] : memref<256x768xf32, #tpu.memory_space<vmem>>, vector<256x768xf32>
      tpu.vector_store %arg7[%swap3A, %swap3A_7], %broadcast_in_dim3A_6 {strides = array<i32>} : memref<256x768xf32, #tpu.memory_space<vmem>>, vector<256x768xf32>,
    } else {
    }
    %lt3A = arith.constant 8 : i32
    %lt3A_2 = arith.cmpi slt, %arg0, %lt3A : i32
    %convert_element_type3A_3 = arith.extui %lt3A_2 : i1 to i32
    %cond3A_4 = arith.constant 0 : i32
    %cond3A_5 = arith.cmpi ne, %convert_element_type3A_3, %cond3A_4 : i32
    scf.if %cond3A_5 {
      %iota3A = tpu.iota {dimensions = array<i32: 0>} : vector<8x2048xi32>
      %eq3A_6 = vector.broadcast %arg0 : i32 to vector<8x2048xi32>
      %eq3A_7 = arith.cmpi eq, %iota3A, %eq3A_6 : vector<8x2048xi32>
      %convert_element_type3A_8 = arith.extui %eq3A_7 : vector<8x2048xi1> to vector<8x2048xi32>
      %convert_element_type3A_9 = arith.sitofp %convert_element_type3A_8 : vector<8x2048xi32> to vector<8x2048xf32>
      %get3A = arith.constant 0 : index
      %get3A_10 = arith.constant 0 : index
      %get3A_11 = vector.load %arg4[%get3A, %get3A_10] : memref<8x2048xf32, #tpu.memory_space<vmem>>, vector<8x2048xf32>
      %mul3A = arith.mulf %get3A_11, %convert_element_type3A_9 : vector<8x2048xf32>
      %reduce_sum3A = arith.constant dense<0.000000e+00> : vector<2048xf32>
      %reduce_sum3A_12 = vector.multi_reduction <add>, %mul3A, %reduce_sum3A [0] : vector<8x2048xf32> to vector<2048xf32>
      %broadcast_in_dim3A = vector.shape_cast %reduce_sum3A_12 : vector<2048xf32> to vector<1x2048xf32>
      %iota3A_13 = tpu.iota {dimensions = array<i32: 0>} : vector<8x768xi32>
      %eq3A_14 = vector.broadcast %arg0 : i32 to vector<8x768xi32>
      %eq3A_15 = arith.cmpi eq, %iota3A_13, %eq3A_14 : vector<8x768xi32>
      %convert_element_type3A_16 = arith.extui %eq3A_15 : vector<8x768xi1> to vector<8x768xi32>
      %convert_element_type3A_17 = arith.sitofp %convert_element_type3A_16 : vector<8x768xi32> to vector<8x768xf32>
      %get3A_18 = arith.constant 0 : index
      %get3A_19 = arith.constant 0 : index
      %get3A_20 = vector.load %arg6[%get3A_18, %get3A_19] : memref<8x768xf32, #tpu.memory_space<vmem>>, vector<8x768xf32>
      %mul3A_21 = arith.mulf %get3A_20, %convert_element_type3A_17 : vector<8x768xf32>
      %reduce_sum3A_22 = arith.constant dense<0.000000e+00> : vector<768xf32>
      %reduce_sum3A_23 = vector.multi_reduction <add>, %mul3A_21, %reduce_sum3A_22 [0] : vector<8x768xf32> to vector<768xf32>
      %broadcast_in_dim3A_24 = vector.shape_cast %reduce_sum3A_23 : vector<768xf32> to vector<1x768xf32>
      %get3A_25 = arith.constant 0 : index
      %get3A_26 = arith.constant 0 : index
      %get3A_27 = vector.load %arg1[%get3A_25, %get3A_26] : memref<256x768xf32, #tpu.memory_space<vmem>>, vector<256x768xf32>
      %get3A_28 = arith.constant 0 : index
      %get3A_29 = arith.constant 0 : index
      %get3A_30 = arith.constant 0 : index
      %get3A_31 = vector.load %arg3[%get3A_28, %get3A_29, %get3A_30] : memref<1x768x2048xf32, #tpu.memory_space<vmem>>, vector<1x768x2048xf32>
      %get3A_32 = vector.shape_cast %get3A_31 : vector<1x768x2048xf32> to vector<768x2048xf32>
      %dot_general3A = arith.constant dense<0.000000e+00> : vector<256x2048xf32>
      %dot_general3A_33 = tpu.matmul %get3A_27, %get3A_32, %dot_general3A {dimension_numbers = #tpu.dot_dimension_numbers<[1], [0], [0], [1], [0, 0, 1, 1], [], []>, transpose_lhs_hint = false} : vector<256x768xf32>, vector<768x2048xf32>, vector<256x2048xf32> -> vector<256x2048xf32>
      %add3A = vector.broadcast %broadcast_in_dim3A : vector<1x2048xf32> to vector<256x2048xf32>
      %add3A_34 = arith.addf %dot_general3A_33, %add3A : vector<256x2048xf32>
      %max3A = arith.constant 0.000000e+00 : f32
      %max3A_35 = vector.broadcast %max3A : f32 to vector<256x2048xf32>
      %max3A_36 = arith.maximumf %add3A_34, %max3A_35 : vector<256x2048xf32>
      %get3A_37 = arith.constant 0 : index
      %get3A_38 = arith.constant 0 : index
      %get3A_39 = arith.constant 0 : index
      %get3A_40 = vector.load %arg5[%get3A_37, %get3A_38, %get3A_39] : memref<1x2048x768xf32, #tpu.memory_space<vmem>>, vector<1x2048x768xf32>
      %get3A_41 = vector.shape_cast %get3A_40 : vector<1x2048x768xf32> to vector<2048x768xf32>
      %dot_general3A_42 = arith.constant dense<0.000000e+00> : vector<256x768xf32>
      %dot_general3A_43 = tpu.matmul %max3A_36, %get3A_41, %dot_general3A_42 {dimension_numbers = #tpu.dot_dimension_numbers<[1], [0], [0], [1], [0, 0, 1, 1], [], []>, transpose_lhs_hint = false} : vector<256x2048xf32>, vector<2048x768xf32>, vector<256x768xf32> -> vector<256x768xf32>
      %add3A_44 = vector.broadcast %broadcast_in_dim3A_24 : vector<1x768xf32> to vector<256x768xf32>
      %add3A_45 = arith.addf %dot_general3A_43, %add3A_44 : vector<256x768xf32>
      %get3A_46 = arith.constant 0 : index
      %get3A_47 = arith.constant 0 : index
      %get3A_48 = vector.load %arg2[%get3A_46, %get3A_47] : memref<256x128xf32, #tpu.memory_space<vmem>>, vector<256x1xf32>
      %mul3A_49 = vector.broadcast %get3A_48 : vector<256x1xf32> to vector<256x768xf32>
      %mul3A_50 = arith.mulf %add3A_45, %mul3A_49 : vector<256x768xf32>
      %swap3A = arith.constant 0 : index
      %swap3A_51 = arith.constant 0 : index
      %swap3A_52 = vector.load %arg7[%swap3A, %swap3A_51] : memref<256x768xf32, #tpu.memory_space<vmem>>, vector<256x768xf32>
      tpu.vector_store %arg7[%swap3A, %swap3A_51], %mul3A_50 {strides = array<i32>} : memref<256x768xf32, #tpu.memory_space<vmem>>, vector<256x768xf32>,
    } else {
    }
    return
  }
  func.func @transform_0(%arg0: i32) -> (i32, i32) {
    %min3A = arith.constant 7 : i32
    %min3A_0 = arith.minsi %arg0, %min3A : i32
    %c0_i32 = arith.constant 0 : i32
    %c0_i32_1 = arith.constant 0 : i32
    return %min3A_0, %c0_i32 : i32, i32
  }
  func.func @transform_1(%arg0: i32) -> (i32, i32) {
    %min3A = arith.constant 7 : i32
    %min3A_0 = arith.minsi %arg0, %min3A : i32
    %c0_i32 = arith.constant 0 : i32
    %c0_i32_1 = arith.constant 0 : i32
    return %min3A_0, %c0_i32 : i32, i32
  }
  func.func @transform_2(%arg0: i32) -> (i32, i32, i32) {
    %min3A = arith.constant 7 : i32
    %min3A_0 = arith.minsi %arg0, %min3A : i32
    %c0_i32 = arith.constant 0 : i32
    %c0_i32_1 = arith.constant 0 : i32
    %c0_i32_2 = arith.constant 0 : i32
    return %min3A_0, %c0_i32, %c0_i32_1 : i32, i32, i32
  }
  func.func @transform_3(%arg0: i32) -> (i32, i32) {
    %c0_i32 = arith.constant 0 : i32
    %c0_i32_0 = arith.constant 0 : i32
    %c0_i32_1 = arith.constant 0 : i32
    return %c0_i32, %c0_i32_0 : i32, i32
  }
  func.func @transform_4(%arg0: i32) -> (i32, i32, i32) {
    %min3A = arith.constant 7 : i32
    %min3A_0 = arith.minsi %arg0, %min3A : i32
    %c0_i32 = arith.constant 0 : i32
    %c0_i32_1 = arith.constant 0 : i32
    %c0_i32_2 = arith.constant 0 : i32
    return %min3A_0, %c0_i32, %c0_i32_1 : i32, i32, i32
  }
  func.func @transform_5(%arg0: i32) -> (i32, i32) {
    %c0_i32 = arith.constant 0 : i32
    %c0_i32_0 = arith.constant 0 : i32
    %c0_i32_1 = arith.constant 0 : i32
    return %c0_i32, %c0_i32_0 : i32, i32
  }
  func.func @transform_6(%arg0: i32) -> (i32, i32) {
    %c0_i32 = arith.constant 0 : i32
    %c0_i32_0 = arith.constant 0 : i32
    return %arg0, %c0_i32 : i32, i32
  }
}

module attributes {stable_mosaic.version = 14 : i64} {
  func.func @_router_body(%arg0: memref<1x2048x768xf32, #tpu.memory_space<vmem>>, %arg1: memref<768x8xf32, #tpu.memory_space<vmem>>, %arg2: memref<1x8xf32, #tpu.memory_space<vmem>>, %arg3: memref<2048xi32, #tpu.memory_space<vmem>>, %arg4: memref<2048x128xf32, #tpu.memory_space<vmem>>) attributes {dimension_semantics = [], scalar_prefetch = 0 : i64, scratch_operands = 0 : i64, tpu.core_type = #tpu.core_type<tc>} {
    %get3A = arith.constant 0 : index
    %get3A_0 = arith.constant 0 : index
    %get3A_1 = arith.constant 0 : index
    %get3A_2 = vector.load %arg0[%get3A, %get3A_0, %get3A_1] : memref<1x2048x768xf32, #tpu.memory_space<vmem>>, vector<1x2048x768xf32>
    %get3A_3 = vector.shape_cast %get3A_2 : vector<1x2048x768xf32> to vector<2048x768xf32>
    %get3A_4 = arith.constant 0 : index
    %get3A_5 = arith.constant 0 : index
    %get3A_6 = vector.load %arg1[%get3A_4, %get3A_5] : memref<768x8xf32, #tpu.memory_space<vmem>>, vector<768x8xf32>
    %dot_general3A = arith.constant dense<0.000000e+00> : vector<2048x8xf32>
    %dot_general3A_7 = tpu.matmul %get3A_3, %get3A_6, %dot_general3A {dimension_numbers = #tpu.dot_dimension_numbers<[1], [0], [0], [1], [0, 0, 1, 1], [], []>, transpose_lhs_hint = false} : vector<2048x768xf32>, vector<768x8xf32>, vector<2048x8xf32> -> vector<2048x8xf32>
    %get3A_8 = arith.constant 0 : index
    %get3A_9 = arith.constant 0 : index
    %get3A_10 = vector.load %arg2[%get3A_8, %get3A_9] : memref<1x8xf32, #tpu.memory_space<vmem>>, vector<1x8xf32>
    %add3A = vector.broadcast %get3A_10 : vector<1x8xf32> to vector<2048x8xf32>
    %add3A_11 = arith.addf %dot_general3A_7, %add3A : vector<2048x8xf32>
    %reduce_max3A = arith.constant dense<0xFF800000> : vector<2048xf32>
    %reduce_max3A_12 = vector.multi_reduction <maximumf>, %add3A_11, %reduce_max3A [1] : vector<2048x8xf32> to vector<2048xf32>
    %broadcast_in_dim3A = vector.shape_cast %reduce_max3A_12 : vector<2048xf32> to vector<2048x1xf32>
    %sub3A = vector.broadcast %broadcast_in_dim3A : vector<2048x1xf32> to vector<2048x8xf32>
    %sub3A_13 = arith.subf %add3A_11, %sub3A : vector<2048x8xf32>
    %exp3A = math.exp %sub3A_13 : vector<2048x8xf32>
    %reduce_sum3A = arith.constant dense<0.000000e+00> : vector<2048xf32>
    %reduce_sum3A_14 = vector.multi_reduction <add>, %exp3A, %reduce_sum3A [1] : vector<2048x8xf32> to vector<2048xf32>
    %broadcast_in_dim3A_15 = vector.shape_cast %reduce_sum3A_14 : vector<2048xf32> to vector<2048x1xf32>
    %div3A = arith.constant 1.000000e+00 : f32
    %div3A_16 = vector.broadcast %div3A : f32 to vector<2048x1xf32>
    %div3A_17 = arith.divf %div3A_16, %broadcast_in_dim3A_15 : vector<2048x1xf32>
    %iota3A = tpu.iota {dimensions = array<i32: 1>} : vector<2048x8xi32>
    %eq3A = vector.broadcast %broadcast_in_dim3A : vector<2048x1xf32> to vector<2048x8xf32>
    %eq3A_18 = arith.cmpf oeq, %add3A_11, %eq3A : vector<2048x8xf32>
    %jit3A = arith.constant 8 : i32
    %broadcast_in_dim3A_19 = vector.broadcast %jit3A : i32 to vector<2048x8xi32>
    %select_n3A = arith.select %eq3A_18, %iota3A, %broadcast_in_dim3A_19 : vector<2048x8xi1>, vector<2048x8xi32>
    %reduce_min3A = arith.constant dense<2147483647> : vector<2048xi32>
    %reduce_min3A_20 = vector.multi_reduction <minsi>, %select_n3A, %reduce_min3A [1] : vector<2048x8xi32> to vector<2048xi32>
    %broadcast_in_dim3A_21 = vector.shape_cast %reduce_min3A_20 : vector<2048xi32> to vector<2048x1xi32>
    %eq3A_22 = vector.broadcast %broadcast_in_dim3A_21 : vector<2048x1xi32> to vector<2048x8xi32>
    %eq3A_23 = arith.cmpi eq, %iota3A, %eq3A_22 : vector<2048x8xi32>
    %convert_element_type3A = arith.extui %eq3A_23 : vector<2048x8xi1> to vector<2048x8xi32>
    %convert_element_type3A_24 = arith.sitofp %convert_element_type3A : vector<2048x8xi32> to vector<2048x8xf32>
    %iota3A_25 = tpu.iota {dimensions = array<i32: 0>} : vector<256x256xi32>
    %iota3A_26 = tpu.iota {dimensions = array<i32: 1>} : vector<256x256xi32>
    %lt3A = arith.cmpi slt, %iota3A_26, %iota3A_25 : vector<256x256xi32>
    %convert_element_type3A_27 = arith.extui %lt3A : vector<256x256xi1> to vector<256x256xi32>
    %convert_element_type3A_28 = arith.sitofp %convert_element_type3A_27 : vector<256x256xi32> to vector<256x256xf32>
    %slice3A = vector.extract_strided_slice %convert_element_type3A_24 {offsets = [0, 0], sizes = [256, 8], strides = [1, 1]} : vector<2048x8xf32> to vector<256x8xf32>
    %slice3A_29 = vector.extract_strided_slice %convert_element_type3A_24 {offsets = [256, 0], sizes = [256, 8], strides = [1, 1]} : vector<2048x8xf32> to vector<256x8xf32>
    %slice3A_30 = vector.extract_strided_slice %convert_element_type3A_24 {offsets = [512, 0], sizes = [256, 8], strides = [1, 1]} : vector<2048x8xf32> to vector<256x8xf32>
    %slice3A_31 = vector.extract_strided_slice %convert_element_type3A_24 {offsets = [768, 0], sizes = [256, 8], strides = [1, 1]} : vector<2048x8xf32> to vector<256x8xf32>
    %slice3A_32 = vector.extract_strided_slice %convert_element_type3A_24 {offsets = [1024, 0], sizes = [256, 8], strides = [1, 1]} : vector<2048x8xf32> to vector<256x8xf32>
    %slice3A_33 = vector.extract_strided_slice %convert_element_type3A_24 {offsets = [1280, 0], sizes = [256, 8], strides = [1, 1]} : vector<2048x8xf32> to vector<256x8xf32>
    %slice3A_34 = vector.extract_strided_slice %convert_element_type3A_24 {offsets = [1536, 0], sizes = [256, 8], strides = [1, 1]} : vector<2048x8xf32> to vector<256x8xf32>
    %slice3A_35 = vector.extract_strided_slice %convert_element_type3A_24 {offsets = [1792, 0], sizes = [256, 8], strides = [1, 1]} : vector<2048x8xf32> to vector<256x8xf32>
    %dot_general3A_36 = arith.constant dense<0.000000e+00> : vector<256x8xf32>
    %dot_general3A_37 = tpu.matmul %convert_element_type3A_28, %slice3A, %dot_general3A_36 {dimension_numbers = #tpu.dot_dimension_numbers<[1], [0], [0], [1], [0, 0, 1, 1], [], []>, transpose_lhs_hint = false} : vector<256x256xf32>, vector<256x8xf32>, vector<256x8xf32> -> vector<256x8xf32>
    %dot_general3A_38 = arith.constant dense<0.000000e+00> : vector<256x8xf32>
    %dot_general3A_39 = tpu.matmul %convert_element_type3A_28, %slice3A_29, %dot_general3A_38 {dimension_numbers = #tpu.dot_dimension_numbers<[1], [0], [0], [1], [0, 0, 1, 1], [], []>, transpose_lhs_hint = false} : vector<256x256xf32>, vector<256x8xf32>, vector<256x8xf32> -> vector<256x8xf32>
    %dot_general3A_40 = arith.constant dense<0.000000e+00> : vector<256x8xf32>
    %dot_general3A_41 = tpu.matmul %convert_element_type3A_28, %slice3A_30, %dot_general3A_40 {dimension_numbers = #tpu.dot_dimension_numbers<[1], [0], [0], [1], [0, 0, 1, 1], [], []>, transpose_lhs_hint = false} : vector<256x256xf32>, vector<256x8xf32>, vector<256x8xf32> -> vector<256x8xf32>
    %dot_general3A_42 = arith.constant dense<0.000000e+00> : vector<256x8xf32>
    %dot_general3A_43 = tpu.matmul %convert_element_type3A_28, %slice3A_31, %dot_general3A_42 {dimension_numbers = #tpu.dot_dimension_numbers<[1], [0], [0], [1], [0, 0, 1, 1], [], []>, transpose_lhs_hint = false} : vector<256x256xf32>, vector<256x8xf32>, vector<256x8xf32> -> vector<256x8xf32>
    %dot_general3A_44 = arith.constant dense<0.000000e+00> : vector<256x8xf32>
    %dot_general3A_45 = tpu.matmul %convert_element_type3A_28, %slice3A_32, %dot_general3A_44 {dimension_numbers = #tpu.dot_dimension_numbers<[1], [0], [0], [1], [0, 0, 1, 1], [], []>, transpose_lhs_hint = false} : vector<256x256xf32>, vector<256x8xf32>, vector<256x8xf32> -> vector<256x8xf32>
    %dot_general3A_46 = arith.constant dense<0.000000e+00> : vector<256x8xf32>
    %dot_general3A_47 = tpu.matmul %convert_element_type3A_28, %slice3A_33, %dot_general3A_46 {dimension_numbers = #tpu.dot_dimension_numbers<[1], [0], [0], [1], [0, 0, 1, 1], [], []>, transpose_lhs_hint = false} : vector<256x256xf32>, vector<256x8xf32>, vector<256x8xf32> -> vector<256x8xf32>
    %dot_general3A_48 = arith.constant dense<0.000000e+00> : vector<256x8xf32>
    %dot_general3A_49 = tpu.matmul %convert_element_type3A_28, %slice3A_34, %dot_general3A_48 {dimension_numbers = #tpu.dot_dimension_numbers<[1], [0], [0], [1], [0, 0, 1, 1], [], []>, transpose_lhs_hint = false} : vector<256x256xf32>, vector<256x8xf32>, vector<256x8xf32> -> vector<256x8xf32>
    %dot_general3A_50 = arith.constant dense<0.000000e+00> : vector<256x8xf32>
    %dot_general3A_51 = tpu.matmul %convert_element_type3A_28, %slice3A_35, %dot_general3A_50 {dimension_numbers = #tpu.dot_dimension_numbers<[1], [0], [0], [1], [0, 0, 1, 1], [], []>, transpose_lhs_hint = false} : vector<256x256xf32>, vector<256x8xf32>, vector<256x8xf32> -> vector<256x8xf32>
    %reduce_sum3A_52 = arith.constant dense<0.000000e+00> : vector<8xf32>
    %reduce_sum3A_53 = vector.multi_reduction <add>, %slice3A, %reduce_sum3A_52 [0] : vector<256x8xf32> to vector<8xf32>
    %broadcast_in_dim3A_54 = vector.shape_cast %reduce_sum3A_53 : vector<8xf32> to vector<1x8xf32>
    %reduce_sum3A_55 = arith.constant dense<0.000000e+00> : vector<8xf32>
    %reduce_sum3A_56 = vector.multi_reduction <add>, %slice3A_29, %reduce_sum3A_55 [0] : vector<256x8xf32> to vector<8xf32>
    %broadcast_in_dim3A_57 = vector.shape_cast %reduce_sum3A_56 : vector<8xf32> to vector<1x8xf32>
    %reduce_sum3A_58 = arith.constant dense<0.000000e+00> : vector<8xf32>
    %reduce_sum3A_59 = vector.multi_reduction <add>, %slice3A_30, %reduce_sum3A_58 [0] : vector<256x8xf32> to vector<8xf32>
    %broadcast_in_dim3A_60 = vector.shape_cast %reduce_sum3A_59 : vector<8xf32> to vector<1x8xf32>
    %reduce_sum3A_61 = arith.constant dense<0.000000e+00> : vector<8xf32>
    %reduce_sum3A_62 = vector.multi_reduction <add>, %slice3A_31, %reduce_sum3A_61 [0] : vector<256x8xf32> to vector<8xf32>
    %broadcast_in_dim3A_63 = vector.shape_cast %reduce_sum3A_62 : vector<8xf32> to vector<1x8xf32>
    %reduce_sum3A_64 = arith.constant dense<0.000000e+00> : vector<8xf32>
    %reduce_sum3A_65 = vector.multi_reduction <add>, %slice3A_32, %reduce_sum3A_64 [0] : vector<256x8xf32> to vector<8xf32>
    %broadcast_in_dim3A_66 = vector.shape_cast %reduce_sum3A_65 : vector<8xf32> to vector<1x8xf32>
    %reduce_sum3A_67 = arith.constant dense<0.000000e+00> : vector<8xf32>
    %reduce_sum3A_68 = vector.multi_reduction <add>, %slice3A_33, %reduce_sum3A_67 [0] : vector<256x8xf32> to vector<8xf32>
    %broadcast_in_dim3A_69 = vector.shape_cast %reduce_sum3A_68 : vector<8xf32> to vector<1x8xf32>
    %reduce_sum3A_70 = arith.constant dense<0.000000e+00> : vector<8xf32>
    %reduce_sum3A_71 = vector.multi_reduction <add>, %slice3A_34, %reduce_sum3A_70 [0] : vector<256x8xf32> to vector<8xf32>
    %broadcast_in_dim3A_72 = vector.shape_cast %reduce_sum3A_71 : vector<8xf32> to vector<1x8xf32>
    %broadcast_in_dim3A_73 = arith.constant 0.000000e+00 : f32
    %broadcast_in_dim3A_74 = vector.broadcast %broadcast_in_dim3A_73 : f32 to vector<1x8xf32>
    %add3A_75 = vector.broadcast %broadcast_in_dim3A_74 : vector<1x8xf32> to vector<256x8xf32>
    %add3A_76 = arith.addf %dot_general3A_37, %add3A_75 : vector<256x8xf32>
    %add3A_77 = arith.addf %broadcast_in_dim3A_74, %broadcast_in_dim3A_54 : vector<1x8xf32>
    %add3A_78 = vector.broadcast %add3A_77 : vector<1x8xf32> to vector<256x8xf32>
    %add3A_79 = arith.addf %dot_general3A_39, %add3A_78 : vector<256x8xf32>
    %add3A_80 = arith.addf %add3A_77, %broadcast_in_dim3A_57 : vector<1x8xf32>
    %add3A_81 = vector.broadcast %add3A_80 : vector<1x8xf32> to vector<256x8xf32>
    %add3A_82 = arith.addf %dot_general3A_41, %add3A_81 : vector<256x8xf32>
    %add3A_83 = arith.addf %add3A_80, %broadcast_in_dim3A_60 : vector<1x8xf32>
    %add3A_84 = vector.broadcast %add3A_83 : vector<1x8xf32> to vector<256x8xf32>
    %add3A_85 = arith.addf %dot_general3A_43, %add3A_84 : vector<256x8xf32>
    %add3A_86 = arith.addf %add3A_83, %broadcast_in_dim3A_63 : vector<1x8xf32>
    %add3A_87 = vector.broadcast %add3A_86 : vector<1x8xf32> to vector<256x8xf32>
    %add3A_88 = arith.addf %dot_general3A_45, %add3A_87 : vector<256x8xf32>
    %add3A_89 = arith.addf %add3A_86, %broadcast_in_dim3A_66 : vector<1x8xf32>
    %add3A_90 = vector.broadcast %add3A_89 : vector<1x8xf32> to vector<256x8xf32>
    %add3A_91 = arith.addf %dot_general3A_47, %add3A_90 : vector<256x8xf32>
    %add3A_92 = arith.addf %add3A_89, %broadcast_in_dim3A_69 : vector<1x8xf32>
    %add3A_93 = vector.broadcast %add3A_92 : vector<1x8xf32> to vector<256x8xf32>
    %add3A_94 = arith.addf %dot_general3A_49, %add3A_93 : vector<256x8xf32>
    %add3A_95 = arith.addf %add3A_92, %broadcast_in_dim3A_72 : vector<1x8xf32>
    %add3A_96 = vector.broadcast %add3A_95 : vector<1x8xf32> to vector<256x8xf32>
    %add3A_97 = arith.addf %dot_general3A_51, %add3A_96 : vector<256x8xf32>
    %concatenate3A = tpu.concatenate %add3A_76, %add3A_79, %add3A_82, %add3A_85, %add3A_88, %add3A_91, %add3A_94, %add3A_97 in 0 : vector<256x8xf32>, vector<256x8xf32>, vector<256x8xf32>, vector<256x8xf32>, vector<256x8xf32>, vector<256x8xf32>, vector<256x8xf32>, vector<256x8xf32> -> vector<2048x8xf32>
    %mul3A = arith.mulf %concatenate3A, %convert_element_type3A_24 : vector<2048x8xf32>
    %reduce_sum3A_98 = arith.constant dense<0.000000e+00> : vector<2048xf32>
    %reduce_sum3A_99 = vector.multi_reduction <add>, %mul3A, %reduce_sum3A_98 [1] : vector<2048x8xf32> to vector<2048xf32>
    %broadcast_in_dim3A_100 = vector.shape_cast %reduce_sum3A_99 : vector<2048xf32> to vector<2048x1xf32>
    %convert_element_type3A_101 = arith.fptosi %broadcast_in_dim3A_100 : vector<2048x1xf32> to vector<2048x1xi32>
    %lt3A_102 = arith.constant 256 : i32
    %lt3A_103 = vector.broadcast %lt3A_102 : i32 to vector<2048x1xi32>
    %lt3A_104 = arith.cmpi slt, %convert_element_type3A_101, %lt3A_103 : vector<2048x1xi32>
    %iota3A_105 = tpu.iota {dimensions = array<i32: 0>} : vector<2048x1xi32>
    %mul3A_106 = arith.constant 256 : i32
    %mul3A_107 = vector.broadcast %mul3A_106 : i32 to vector<2048x1xi32>
    %mul3A_108 = arith.muli %broadcast_in_dim3A_21, %mul3A_107 : vector<2048x1xi32>
    %add3A_109 = arith.addi %mul3A_108, %convert_element_type3A_101 : vector<2048x1xi32>
    %and3A = arith.constant 255 : i32
    %and3A_110 = vector.broadcast %and3A : i32 to vector<2048x1xi32>
    %and3A_111 = arith.andi %iota3A_105, %and3A_110 : vector<2048x1xi32>
    %add3A_112 = arith.constant 2048 : i32
    %add3A_113 = vector.broadcast %add3A_112 : i32 to vector<2048x1xi32>
    %add3A_114 = arith.addi %add3A_113, %and3A_111 : vector<2048x1xi32>
    %select_n3A_115 = arith.select %lt3A_104, %add3A_109, %add3A_114 : vector<2048x1xi1>, vector<2048x1xi32>
    %reshape3A = vector.shape_cast %select_n3A_115 : vector<2048x1xi32> to vector<2048xi32>
    %swap3A = arith.constant 0 : index
    %swap3A_116 = vector.load %arg3[%swap3A] : memref<2048xi32, #tpu.memory_space<vmem>>, vector<2048xi32>
    tpu.vector_store %arg3[%swap3A], %reshape3A {strides = array<i32>} : memref<2048xi32, #tpu.memory_space<vmem>>, vector<2048xi32>,
    %broadcast_in_dim3A_117 = vector.shape_cast %div3A_17 : vector<2048x1xf32> to vector<2048x1xf32>
    %broadcast_in_dim3A_118 = vector.broadcast %broadcast_in_dim3A_117 : vector<2048x1xf32> to vector<2048x128xf32>
    %swap3A_119 = arith.constant 0 : index
    %swap3A_120 = arith.constant 0 : index
    %swap3A_121 = vector.load %arg4[%swap3A_119, %swap3A_120] : memref<2048x128xf32, #tpu.memory_space<vmem>>, vector<2048x128xf32>
    tpu.vector_store %arg4[%swap3A_119, %swap3A_120], %broadcast_in_dim3A_118 {strides = array<i32>} : memref<2048x128xf32, #tpu.memory_space<vmem>>, vector<2048x128xf32>,
    return
  }
}

</mosaic_0001>

<sc_bundles>
// kernel: kernel.6.cloned.1.call-start
scs
__scs_entry_jumppad:
0x0: {  	(pc) =	sbr.rel $0x88, $3  }
0x1: {  	(tag) =	ssettag $0x0;
	lr =	simm.s32 $0x1  }
0x2: {  	[smem:$0x3F9A] =	sst lr;
	_ =	strace $0xD0000000  }
0x3: {  	_ = 	snop  }
0x4: {  	_ = 	snop  }
0x5: {  	_ = 	snop  }
0x6: {  	_ = 	snop  }
0x7: {  	_ = 	snop  }
__scs_overlays_trampoline_lowered:
0x8: {  	[smem:$0x3FA9] =	sst s0  }
0x9: {  	[smem:$0x3FAA] =	sst s1  }
0xa: {  	[smem:$0x3FAB] =	sst s2  }
0xb: {  	[smem:$0x3FAC] =	sst s3  }
0xc: {  	[smem:$0x3FAD] =	sst s4  }
0xd: {  	[smem:$0x3FAE] =	sst s5  }
0xe: {  	[smem:$0x3FAF] =	sst s6  }
0xf: {  	[smem:$0x3FB0] =	sst s7  }
0x10: {  	[smem:$0x3FB1] =	sst s8  }
0x11: {  	[smem:$0x3FB2] =	sst s9;
	s0 =	simm.s32 @!p0 $0x0  }
0x12: {  	s1 =	sld [smem:$0x3F98];
	s0 =	simm.s32 @p0 $0x1  }
0x13: {  	[smem:$0x3FB3] =	sst s0;
	s0 =	simm.s32 @!p1 $0x0  }
0x14: {  	s2 =	sld [smem:$0x3F97];
	s0 =	simm.s32 @p1 $0x1  }
0x15: {  	[smem:$0x3FB4] =	sst s0;
	s0 =	simm.s32 @!p2 $0x0  }
0x16: {  	s3 =	sld [smem:$0x3FDB];
	s0 =	simm.s32 @p2 $0x1  }
0x17: {  	s4 =	simm.s32 $0x1BF5;
	[smem:$0x3FB6] =	sst s0  }
0x18: {  	s0 =	sld [smem:$0x3F99];
	_ =	swait.ge [sflag:s4], $0x0  }
0x19: {  	s7 =	sld [smem:$0x3F9A]  }
0x1a: {  	s8 =	sadd.s32 $0xFFFFE003, lr  }
0x1b: {  	s9 =	sadd.s32 $0xFFFFFEF7, lr;
	s5 =	simm.s32 $0xFFFFFFFF;
	p2 =	slt.u32 s8, $0xFFFFF086  }
0x1c: {  	p1 =	slt.u32 s9, $0xF7A;
	s5 =	simm.s32 @!p2 $0x0  }
0x1d: {  	s5 =	simm.s32 @p1 $0x1;
	p0 =	seq.s32 s7, s2  }
0x1e: {  	s7 =	smul.u32 @!p0 $0xF7A, s2;
	p2 =	seq.s32 @!p0 s5, $0x0  }
0x1f: {  	s9 =	smul.u32 $0xF7A, s1;
	s8 =	simm.s32 @!p0 $0x1BF5;
	p2 =	por !p2, p0  }
0x20: {  	[sflag:s8] =	ssyncset.s32 @!p0 $0xFFFFF086;
	s6 =	sadd.s32 @!p0 s3, s7;
	s7 =	simm.s32 @!p0 $0x108  }
0x21: {  	s3 =	sadd.s32 s3, s9;
	s6 =	sadd.s32 @!p0 $0x88, s6;
	s7 =	simm.s32 @p2 $0x1082  }
0x22: {  	[simem:s7], [sflag:s8] =	dma.local @!p0 [hbm:s6], $0xF7A  }
0x23: {  	s9 =	sor.u32 $0xD0000000, s2;
	s6 =	simm.s32 $0x108;
	_ =	swait.ge @!p0 [sflag:s8], $0x0  }
0x24: {  	s3 =	sadd.s32 $0x88, s3;
	s6 =	simm.s32 @!p1 $0x1082;
	[sflag:s4] =	ssyncset.s32 $0xFFFFF086  }
0x25: {  	[simem:s6], [sflag:s4] =	dma.local [hbm:s3], $0xF7A  }
0x26: {  	[smem:$0x3F9A] =	sst s1;
	(tag) =	ssettag s2;
	_ =	strace s9  }
0x27: {  	s1 =	sld [smem:$0x3FAA]  }
0x28: {  	s2 =	sld [smem:$0x3FAB]  }
0x29: {  	s4 =	sld [smem:$0x3FAD]  }
0x2a: {  	p0 =	seq.s32 s5, $0x0;
	s5 =	sld [smem:$0x3FAE]  }
0x2b: {  	s6 =	sld [smem:$0x3FAF]  }
0x2c: {  	s7 =	sld [smem:$0x3FB0]  }
0x2d: {  	s3 =	simm.s32 $0x108;
	s8 =	sld [smem:$0x3FB1]  }
0x2e: {  	s3 =	simm.s32 @!p0 $0x1082;
	s9 =	sld [smem:$0x3FB2]  }
0x2f: {  	lr =	sadd.s32 s0, s3;
	s0 =	sld [smem:$0x3FA9]  }
0x30: {  	s3 =	sld [smem:$0x3FAC]  }
0x31: {  	[smem:$0x3FB5] =	sst s10  }
0x32: {  	s10 =	sld [smem:$0x3FB3];
	_ =	sdelay $0x3  }
0x33: {  	p0 =	seq.s32 s10, $0x1;
	s10 =	sld [smem:$0x3FB5];
	_ =	sdelay $0x3  }
0x34: {  	[smem:$0x3FB5] =	sst s10  }
0x35: {  	s10 =	sld [smem:$0x3FB4];
	_ =	sdelay $0x3  }
0x36: {  	p1 =	seq.s32 s10, $0x1;
	s10 =	sld [smem:$0x3FB5];
	_ =	sdelay $0x3  }
0x37: {  	[smem:$0x3FB5] =	sst s10  }
0x38: {  	s10 =	sld [smem:$0x3FB6]  }
0x39: {  	_ = 	snop;
	(pc) =	sbr.ind lr, $3  }
0x3a: {  	_ = 	snop  }
0x3b: {  	_ = 	snop  }
0x3c: {  	p2 =	seq.s32 s10, $0x1;
	s10 =	sld [smem:$0x3FB5]  }
0x3d: {  	_ =	shalt  }
0x3e: {  	_ =	shalt  }
0x3f: {  	_ =	shalt  }
0x40: {  	_ =	shalt  }
0x41: {  	_ =	shalt  }
0x42: {  	_ =	shalt  }
0x43: {  	_ =	shalt  }
0x44: {  	_ =	shalt  }
0x45: {  	_ =	shalt  }
0x46: {  	_ =	shalt  }
0x47: {  	_ =	shalt  }
0x48: {  	_ =	shalt  }
0x49: {  	_ =	shalt  }
0x4a: {  	_ =	shalt  }
0x4b: {  	_ =	shalt  }
0x4c: {  	_ =	shalt  }
0x4d: {  	_ =	shalt  }
0x4e: {  	_ =	shalt  }
0x4f: {  	_ =	shalt  }
0x50: {  	_ =	shalt  }
0x51: {  	_ =	shalt  }
0x52: {  	_ =	shalt  }
0x53: {  	_ =	shalt  }
0x54: {  	_ =	shalt  }
0x55: {  	_ =	shalt  }
0x56: {  	_ =	shalt  }
0x57: {  	_ =	shalt  }
0x58: {  	_ =	shalt  }
0x59: {  	_ =	shalt  }
0x5a: {  	_ =	shalt  }
0x5b: {  	_ =	shalt  }
0x5c: {  	_ =	shalt  }
0x5d: {  	_ =	shalt  }
0x5e: {  	_ =	shalt  }
0x5f: {  	_ =	shalt  }
0x60: {  	_ =	shalt  }
0x61: {  	_ =	shalt  }
0x62: {  	_ =	shalt  }
0x63: {  	_ =	shalt  }
0x64: {  	_ =	shalt  }
0x65: {  	_ =	shalt  }
0x66: {  	_ =	shalt  }
0x67: {  	_ =	shalt  }
0x68: {  	_ =	shalt  }
0x69: {  	_ =	shalt  }
0x6a: {  	_ =	shalt  }
0x6b: {  	_ =	shalt  }
0x6c: {  	_ =	shalt  }
0x6d: {  	_ =	shalt  }
0x6e: {  	_ =	shalt  }
0x6f: {  	_ =	shalt  }
0x70: {  	_ =	shalt  }
0x71: {  	_ =	shalt  }
0x72: {  	_ =	shalt  }
0x73: {  	_ =	shalt  }
0x74: {  	_ =	shalt  }
0x75: {  	_ =	shalt  }
0x76: {  	_ =	shalt  }
0x77: {  	_ =	shalt  }
0x78: {  	_ =	shalt  }
0x79: {  	_ =	shalt  }
0x7a: {  	_ =	shalt  }
0x7b: {  	_ =	shalt  }
0x7c: {  	_ =	shalt  }
0x7d: {  	_ =	shalt  }
0x7e: {  	_ =	shalt  }
0x7f: {  	_ =	shalt  }
0x80: {  	_ =	shalt  }
0x81: {  	_ =	shalt  }
0x82: {  	_ =	shalt  }
0x83: {  	_ =	shalt  }
0x84: {  	_ =	shalt  }
0x85: {  	_ =	shalt  }
0x86: {  	_ =	shalt  }
0x87: {  	_ =	shalt  }
.Lfunc_end0:
.L_simem_size_0:
called_computation_lowered:
.L_overlay_start_0:
0x88: {  	s2 =	sld [smem:$0x3FD9]  }
0x89: {  	s3 =	sld [smem:$0x3FFE];
	_ =	sdelay $0x1  }
0x8a: {  	s1 =	srdreg.scid  }
0x8b: {  	s0 =	sand.u32 $0x1, s1  }
0x8c: {  	s17 =	sshll.u32 s0, $0xA;
	s2 =	sadd.s32 s3, s2  }
0x8d: {  	s2 =	sadd.s32 s2, s17  }
0x8e: {  	[smem:$0x3FC1] =	sst s2  }
0x8f: {  	_ = 	snop  }
0x90: {  	s2 =	sld [smem:$0x3FC9]  }
0x91: {  	s18 =	sld [smem:$0x3FD0];
	(tm) =	ssettm $0x1  }
0x92: {  	s4 =	sld [smem:$0x3FFB];
	_ =	sdelay $0x3  }
0x93: {  	_ =	strace s4  }
0x94: {  	s4 =	sld [smem:$0x3FFC];
	_ =	sdelay $0x3  }
0x95: {  	_ =	strace s4  }
0x96: {  	s4 =	sld [smem:$0x3FFD];
	_ =	sdelay $0x3  }
0x97: {  	_ =	strace s4  }
0x98: {  	_ =	strace $0x8FFFFFFF  }
0x99: {  	s19 =	sld [smem:$0x3FDB];
	_ =	sdelay $0x1  }
0x9a: {  	s5 =	simm.s32 $_scs_section_size  }
0x9b: {  	s6 =	simm.s32 $_size__tile_overlayer_lowered;
	s7 =	simm.s32 $_tile_overlayer_lowered  }
0x9c: {  	s22 =	simm.s32 $0x1BFF;
	s21 =	sshll.u32 s7, $0x1;
	s4 =	sadd.s32 s5, s19  }
0x9d: {  	s8 =	simm.s32 $0x0;
	s20 =	sshll.u32 s6, $0x1;
	s6 =	sadd.s32 s21, s4  }
0x9e: {  	[timem:s8], [sflag:s22] =	dma.local [hbm:s6], s20  }
0x9f: {  	_ =	swait.ge [sflag:s22], s20  }
0xa0: {  	s5 =	ssub.s32 $0x0, s20;
	[sflag:s22] =	ssyncset.done $0x0  }
0xa1: {  	[sflag:s22] =	ssyncadd.s32 s5;
	_ =	sdelay $0x1  }
0xa2: {  	s23 =	simm.s32 $0x1B8B  }
0xa3: {  	_ =	swait.ge [sflag:s23], $0x1  }
0xa4: {  	[sflag:s23] =	ssyncset.done $0x0  }
0xa5: {  	s25 =	simm.s32 $0x1B8E;
	s24 =	sld [smem:$0x3FFE];
	[sflag:s23] =	ssyncadd.s32 $0xFFFFFFFF  }
0xa6: {  	s26 =	simm.s32 $execute0_lowered;
	[smem:$0x3FD2] =	sst s25  }
0xa7: {  	s6 =	sshll.u32 s26, $0x1;
	_ =	strace $0x80000046;
	[dreg:$0x1] =	wrdreg $0xFFFFFFFF  }
0xa8: {  	s28 =	simm.s32 $_size_execute0_lowered;
	s4 =	sadd.s32 s4, s6;
	[dreg:$0x0] =	wrdreg $0x0  }
0xa9: {  	s6 =	sshll.u32 s28, $0x1;
	[dreg:$0x2] =	wrdreg s4  }
0xaa: {  	[dreg:$0x3] =	wrdreg s6  }
0xab: {  	[dreg:$0x4] =	wrdreg $0xC0  }
0xac: {  	_ =	task [dreg:s8], $0x5FFFF  }
0xad: {  	[dreg:$0x1] =	wrdreg $0xFFFFFFFF  }
0xae: {  	[dreg:$0x0] =	wrdreg $0x60  }
0xaf: {  	[dreg:$0x2] =	wrdreg s2  }
0xb0: {  	[dreg:$0x3] =	wrdreg s24  }
0xb1: {  	[dreg:$0x4] =	wrdreg s18  }
0xb2: {  	[dreg:$0x5] =	wrdreg $0x9  }
0xb3: {  	_ =	task.clear_ibuf [dreg:s8], $0x6FFFF;
	_ =	strace $0x90000046  }
0xb4: {  	s29 =	simm.s32 $0x9;
	_ =	strace $0x80000048  }
0xb5: {  	_ =	swait.ge [sflag:s29], $0x1  }
0xb6: {  	[sflag:s29] =	ssyncadd.s32 $0xFFFFFFFF  }
0xb7: {  	_ =	strace $0x90000048  }
0xb8: {  	_ =	sfence  }
0xb9: {  	s30 =	sld [smem:$0x0];
	_ =	sdelay $0x2  }
0xba: {  	s31 =	sshll.u32 s1, $0xD;
	s1 =	sshrl.u32 s1, $0x2  }
0xbb: {  	s3 =	sand.u32 $0x4000, s31;
	s1 =	sadd.s32 s1, s30  }
0xbc: {  	s0 =	sor.u32 s3, s0;
	s1 =	sshll.u32 s1, $0x11  }
0xbd: {  	s0 =	sor.u32 s1, s0  }
0xbe: {  	s0 =	sadd.s32 $0x8F2B, s0  }
0xbf: {  	[sflag:s0] =	ssyncadd.remote.s32 $0x1  }
0xc0: {  	_ =	sfence.sel $0xFFFF  }
0xc1: {  	[dreg:$0x0] =	wrdreg $0xFFFFFFFF;
	(pc) =	sbr.abs _section_cstart, $3  }
0xc2: {  	[dreg:$0x1] =	wrdreg $0xFFFFFFFF  }
0xc3: {  	_ =	task.clear_ibuf [dreg:s8], $0x2FFFF;
	_ =	strace $0x9FFFFFFF  }
0xc4: {  	(tm) =	ssettm $0x7FFFFFFF  }
0xc5: {  	_ =	shalt  }
tec
execute0_lowered:
.L_overlay_start_1:
0x0: {  	(tag) =	ssettag $0x1  }
0x1: {  	s4 =	rddreg [dreg:$0x0]  }
0x2: {  	s1 =	srdreg.scid;
	s6 =	rddreg [dreg:$0x1]  }
0x3: {  	s0 =	stileid.u32;
	s2 =	rddreg [dreg:$0x2]  }
0x4: {  	s18 =	simm.s32 $0x900;
	s19 =	simm.s32 $0x1100;
	s20 =	simm.s32 $0x1900  }
0x5: {  	s21 =	simm.s32 $0x2100;
	s22 =	simm.s32 $0x2900;
	s23 =	simm.s32 $0x3100  }
0x6: {  	s24 =	simm.s32 $0x3900;
	s25 =	simm.s32 $0x4100;
	s1 =	sand.u32 $0x1, s1  }
0x7: {  	s26 =	simm.s32 $0x4900;
	s3 =	sshll.u32 s0, $0x7;
	s5 =	sshll.u32 s1, $0x6  }
0x8: {  	s12 =	simm.s32 $0xC100;
	s5 =	sor.u32 s5, s3;
	s3 =	simm.s32 $0x0  }
0x9: {  	s13 =	simm.s32 $0x1;
	s15 =	simm.s32 $0x5900;
	[smem:$0x7FF] =	sst s3  }
0xa: {  	s28 =	simm.s32 $0xB900;
	_ =	strace $0x80000047;
	[dreg:$0x9] =	wrdreg s18  }
0xb: {  	s29 =	simm.s32 $0x20;
	s30 =	simm.s32 $0xD100;
	[dreg:$0xa] =	wrdreg s19  }
0xc: {  	s31 =	simm.s32 $0x3;
	s1 =	ssub.s32 $0x2, s1;
	[dreg:$0xb] =	wrdreg s20  }
0xd: {  	s11 =	sadd.s32 $0xA000, s6;
	s17 =	sshrl.u32 s1, $0x1;
	[dreg:$0xc] =	wrdreg s21  }
0xe: {  	s7 =	sshrl.u32 s5, $0x3;
	s5 =	sshll.u32 s5, $0x4;
	[dreg:$0xd] =	wrdreg s22  }
0xf: {  	s1 =	ssub.s32 s1, s17;
	s17 =	simm.s32 $0x6900;
	[dreg:$0xe] =	wrdreg s23  }
0x10: {  	s8 =	smul.u32 $0x300, s7;
	s9 =	sor.u32 $0x4, s7;
	[dreg:$0xf] =	wrdreg s24  }
0x11: {  	s5 =	sadd.s32 s5, s6;
	s7 =	sadd.s32 s11, s7;
	[dreg:$0x10] =	wrdreg s25  }
0x12: {  	[dreg:$0x11] =	wrdreg s26;
	s18 =	simm.s32 $0x7100;
	s19 =	simm.s32 $0x7900  }
0x13: {  	s20 =	simm.s32 $0x8100;
	s21 =	simm.s32 $0x8900;
	s22 =	simm.s32 $0x9100  }
0x14: {  	s23 =	simm.s32 $0x9900;
	s24 =	simm.s32 $0xA100;
	s25 =	simm.s32 $0xA900  }
0x15: {  	s26 =	simm.s32 $0xB100;
	s10 =	smul.u32 $0x300, s9;
	[dreg:$0x6] =	wrdreg s7  }
0x16: {  	s16 =	sadd.s32 s11, s9;
	s5 =	sadd.s32 $0x2000, s5;
	s7 =	smax.u32 s1, $0x1  }
0x17: {  	s9 =	simm.s32 $0x6100;
	s11 =	simm.s32 $0x80;
	[dreg:$0x7] =	wrdreg s16  }
0x18: {  	s1 =	simm.s32 $0x4;
	s8 =	sadd.s32 s4, s8;
	[dreg:$0x8] =	wrdreg s5  }
0x19: {  	v2 =	vlaneseq.u32;
	s5 =	sadd.s32 $0xA300, s6;
	s16 =	simm.s32 $0x2;
	[dreg:$0x4] =	wrdreg s8  }
0x1a: {  	vm0 =	vmmov $0xffff;
	v1 =	vshrl.u32 v2, $0x3;
	s4 =	sadd.s32 s4, s10;
	s8 =	simm.s32 $0x100;
	s10 =	simm.s32 $0x5  }
0x1b: {  	v0 =	vand.u32 $0x7, v2;
	v2 =	vor.u32 $0x8, v2;
	v1 =	vmul.u32 $0x8, v1;
	[dreg:$0x5] =	wrdreg s4;
	s4 =	sadd.s32 $0xA200, s6;
	s6 =	sadd.s32 $0xA400, s6  }
.LBB2_1:
0x1c: {  	s0 =	rddreg [dreg:$0x4]  }
0x1d: {  	[tilespmem:s8], [sflag:$0x1] =	stream.linear.gather [hbm4b:s0+s3], $0x6000, $0x38;
	[tilespmem:$0xE100] =	vst v63  }
0x1e: {  	s14 =	rddreg [dreg:$0x5]  }
0x1f: {  	[tilespmem:s9], [sflag:$0x2] =	stream.linear.gather [hbm4b:s14+s3], $0x6000, $0x38;
	[tilespmem:$0xE100] =	vst v63  }
0x20: {  	s0 =	rddreg [dreg:$0x6]  }
0x21: {  	[tilespmem:s3], [sflag:$0x5] =	stream.linear.gather [hbm4b:s0+s3], $0x20, $0x38;
	[tilespmem:$0xE100] =	vst v63  }
0x22: {  	_ =	swait.ge [sflag:s10], $0x20  }
0x23: {  	[sflag:s10] =	ssyncset.done $0x0  }
0x24: {  	s14 =	rddreg [dreg:$0x7];
	[sflag:s10] =	ssyncadd.s32 $0xFFFFFFE0  }
0x25: {  	[tilespmem:s11], [sflag:$0x5] =	stream.linear.gather [hbm4b:s14+s3], $0x20, $0x38;
	[tilespmem:$0xE100] =	vst v63  }
0x26: {  	_ =	swait.ge [sflag:s10], $0x20  }
0x27: {  	[sflag:s10] =	ssyncset.done $0x0  }
0x28: {  	s14 =	rddreg [dreg:$0x8];
	[sflag:s10] =	ssyncadd.s32 $0xFFFFFFE0  }
0x29: {  	[tilespmem:s12], [sflag:$0x5] =	stream.linear.gather [hbm4b:s14+s3], $0x2000, $0x38;
	[tilespmem:$0xE100] =	vst v63  }
0x2a: {  	_ =	swait.ge [sflag:s10], $0x2000  }
0x2b: {  	[sflag:s10] =	ssyncset.done $0x0  }
0x2c: {  	[sflag:s10] =	ssyncadd.s32 $0xFFFFE000  }
0x2d: {  	_ =	swait.ge [sflag:s13], $0x6000  }
0x2e: {  	[sflag:s13] =	ssyncset.done $0x0  }
0x2f: {  	[sflag:s13] =	ssyncadd.s32 $0xFFFFA000  }
0x30: {  	v3 =	vld [tilespmem:$0x0];
	_ =	sdelay $0x4  }
0x31: {  	v4 =	vshrl.u32 v3, $0x3  }
0x32: {  	v4 =	vmul.u32 $0x30, v4  }
0x33: {  	v3 =	vand.u32 $0x7, v3  }
0x34: {  	v3 =	vor.u32 v3, v4  }
0x35: {  	v4 =	vperm.xlane v3, v0;
	_ =	sdelay $0x1  }
0x36: {  	v4 =	vadd.s32 v1, v4;
	_ =	sdelay $0x3  }
0x37: {  	v3 =	vperm.xlane v3, v2  }
0x38: {  	[hbm4b:s4+s3] =	stream.indirect_vreg.scatter [tilespmem:s8], [sflag:$0x3], $0x80, v4, vm0, $0xb8;
	[tilespmem:$0xE100] =	vst v63  }
0x39: {  	s0 =	rddreg [dreg:$0x9];
	v3 =	vadd.s32 v1, v3  }
0x3a: {  	[hbm4b:s5+s3] =	stream.indirect_vreg.scatter [tilespmem:s0], [sflag:$0x3], $0x80, v4, vm0, $0xb8;
	[tilespmem:$0xE100] =	vst v63  }
0x3b: {  	s14 =	rddreg [dreg:$0xa]  }
0x3c: {  	[hbm4b:s6+s3] =	stream.indirect_vreg.scatter [tilespmem:s14], [sflag:$0x3], $0x80, v4, vm0, $0xb8;
	[tilespmem:$0xE100] =	vst v63  }
0x3d: {  	s0 =	rddreg [dreg:$0xb]  }
0x3e: {  	[hbm4b:s4+s3] =	stream.indirect_vreg.scatter [tilespmem:s0], [sflag:$0x3], $0x80, v3, vm0, $0xb8;
	[tilespmem:$0xE100] =	vst v63  }
0x3f: {  	s14 =	rddreg [dreg:$0xc]  }
0x40: {  	[hbm4b:s5+s3] =	stream.indirect_vreg.scatter [tilespmem:s14], [sflag:$0x3], $0x80, v3, vm0, $0xb8;
	[tilespmem:$0xE100] =	vst v63  }
0x41: {  	s0 =	rddreg [dreg:$0xd]  }
0x42: {  	[hbm4b:s6+s3] =	stream.indirect_vreg.scatter [tilespmem:s0], [sflag:$0x3], $0x80, v3, vm0, $0xb8;
	[tilespmem:$0xE100] =	vst v63  }
0x43: {  	v3 =	vld [tilespmem:$0x10];
	_ =	sdelay $0x4  }
0x44: {  	v61 =	vshrl.u32 v3, $0x3  }
0x45: {  	v4 =	vmul.u32 $0x30, v61  }
0x46: {  	v3 =	vand.u32 $0x7, v3  }
0x47: {  	v3 =	vor.u32 v3, v4  }
0x48: {  	v4 =	vperm.xlane v3, v0;
	_ =	sdelay $0x1  }
0x49: {  	v4 =	vadd.s32 v1, v4;
	_ =	sdelay $0x3  }
0x4a: {  	s0 =	rddreg [dreg:$0xe];
	v3 =	vperm.xlane v3, v2  }
0x4b: {  	[hbm4b:s4+s3] =	stream.indirect_vreg.scatter [tilespmem:s0], [sflag:$0x3], $0x80, v4, vm0, $0xb8;
	[tilespmem:$0xE100] =	vst v63  }
0x4c: {  	s14 =	rddreg [dreg:$0xf];
	v3 =	vadd.s32 v1, v3  }
0x4d: {  	[hbm4b:s5+s3] =	stream.indirect_vreg.scatter [tilespmem:s14], [sflag:$0x3], $0x80, v4, vm0, $0xb8;
	[tilespmem:$0xE100] =	vst v63  }
0x4e: {  	s0 =	rddreg [dreg:$0x10]  }
0x4f: {  	[hbm4b:s6+s3] =	stream.indirect_vreg.scatter [tilespmem:s0], [sflag:$0x3], $0x80, v4, vm0, $0xb8;
	[tilespmem:$0xE100] =	vst v63  }
0x50: {  	s14 =	rddreg [dreg:$0x11]  }
0x51: {  	[hbm4b:s4+s3] =	stream.indirect_vreg.scatter [tilespmem:s14], [sflag:$0x3], $0x80, v3, vm0, $0xb8;
	[tilespmem:$0xE100] =	vst v63  }
0x52: {  	s14 =	simm.s32 $0x5100  }
0x53: {  	[hbm4b:s5+s3] =	stream.indirect_vreg.scatter [tilespmem:s14], [sflag:$0x3], $0x80, v3, vm0, $0xb8;
	[tilespmem:$0xE100] =	vst v63  }
0x54: {  	_ = 	snop  }
0x55: {  	[hbm4b:s6+s3] =	stream.indirect_vreg.scatter [tilespmem:s15], [sflag:$0x3], $0x80, v3, vm0, $0xb8;
	[tilespmem:$0xE100] =	vst v63  }
0x56: {  	_ =	swait.ge [sflag:s16], $0x6000  }
0x57: {  	[sflag:s16] =	ssyncset.done $0x0  }
0x58: {  	[sflag:s16] =	ssyncadd.s32 $0xFFFFA000  }
0x59: {  	v3 =	vld [tilespmem:$0x80];
	_ =	sdelay $0x4  }
0x5a: {  	v62 =	vshrl.u32 v3, $0x3  }
0x5b: {  	v4 =	vmul.u32 $0x30, v62  }
0x5c: {  	v3 =	vand.u32 $0x7, v3  }
0x5d: {  	v3 =	vor.u32 v3, v4  }
0x5e: {  	v4 =	vperm.xlane v3, v0;
	_ =	sdelay $0x1  }
0x5f: {  	v4 =	vadd.s32 v1, v4;
	_ =	sdelay $0x3  }
0x60: {  	v3 =	vperm.xlane v3, v2  }
0x61: {  	[hbm4b:s4+s3] =	stream.indirect_vreg.scatter [tilespmem:s9], [sflag:$0x4], $0x80, v4, vm0, $0xb8;
	[tilespmem:$0xE100] =	vst v63  }
0x62: {  	v3 =	vadd.s32 v1, v3  }
0x63: {  	[hbm4b:s5+s3] =	stream.indirect_vreg.scatter [tilespmem:s17], [sflag:$0x4], $0x80, v4, vm0, $0xb8;
	[tilespmem:$0xE100] =	vst v63  }
0x64: {  	_ = 	snop  }
0x65: {  	[hbm4b:s6+s3] =	stream.indirect_vreg.scatter [tilespmem:s18], [sflag:$0x4], $0x80, v4, vm0, $0xb8;
	[tilespmem:$0xE100] =	vst v63  }
0x66: {  	_ = 	snop  }
0x67: {  	[hbm4b:s4+s3] =	stream.indirect_vreg.scatter [tilespmem:s19], [sflag:$0x4], $0x80, v3, vm0, $0xb8;
	[tilespmem:$0xE100] =	vst v63  }
0x68: {  	_ = 	snop  }
0x69: {  	[hbm4b:s5+s3] =	stream.indirect_vreg.scatter [tilespmem:s20], [sflag:$0x4], $0x80, v3, vm0, $0xb8;
	[tilespmem:$0xE100] =	vst v63  }
0x6a: {  	_ = 	snop  }
0x6b: {  	[hbm4b:s6+s3] =	stream.indirect_vreg.scatter [tilespmem:s21], [sflag:$0x4], $0x80, v3, vm0, $0xb8;
	[tilespmem:$0xE100] =	vst v63  }
0x6c: {  	v3 =	vld [tilespmem:$0x90];
	_ =	sdelay $0x4  }
0x6d: {  	v63 =	vshrl.u32 v3, $0x3  }
0x6e: {  	v4 =	vmul.u32 $0x30, v63  }
0x6f: {  	v3 =	vand.u32 $0x7, v3  }
0x70: {  	v3 =	vor.u32 v3, v4  }
0x71: {  	v4 =	vperm.xlane v3, v0;
	_ =	sdelay $0x1  }
0x72: {  	v4 =	vadd.s32 v1, v4;
	_ =	sdelay $0x3  }
0x73: {  	v3 =	vperm.xlane v3, v2  }
0x74: {  	[hbm4b:s4+s3] =	stream.indirect_vreg.scatter [tilespmem:s22], [sflag:$0x4], $0x80, v4, vm0, $0xb8;
	[tilespmem:$0xE100] =	vst v63  }
0x75: {  	v3 =	vadd.s32 v1, v3  }
0x76: {  	[hbm4b:s5+s3] =	stream.indirect_vreg.scatter [tilespmem:s23], [sflag:$0x4], $0x80, v4, vm0, $0xb8;
	[tilespmem:$0xE100] =	vst v63  }
0x77: {  	_ = 	snop  }
0x78: {  	[hbm4b:s6+s3] =	stream.indirect_vreg.scatter [tilespmem:s24], [sflag:$0x4], $0x80, v4, vm0, $0xb8;
	[tilespmem:$0xE100] =	vst v63  }
0x79: {  	_ = 	snop  }
0x7a: {  	[hbm4b:s4+s3] =	stream.indirect_vreg.scatter [tilespmem:s25], [sflag:$0x4], $0x80, v3, vm0, $0xb8;
	[tilespmem:$0xE100] =	vst v63  }
0x7b: {  	_ = 	snop  }
0x7c: {  	[hbm4b:s5+s3] =	stream.indirect_vreg.scatter [tilespmem:s26], [sflag:$0x4], $0x80, v3, vm0, $0xb8;
	[tilespmem:$0xE100] =	vst v63  }
0x7d: {  	_ = 	snop  }
0x7e: {  	[hbm4b:s6+s3] =	stream.indirect_vreg.scatter [tilespmem:s28], [sflag:$0x4], $0x80, v3, vm0, $0xb8;
	[tilespmem:$0xE100] =	vst v63  }
0x7f: {  	_ = 	snop  }
0x80: {  	[hbm4b:s2+s29] =	stream.indirect.scatter [tilespmem:s12], [sflag:$0x5], $0x80, s3, s29, $0xb8;
	[tilespmem:$0xE100] =	vst v63  }
0x81: {  	_ =	swait.ge [sflag:s10], $0x1000  }
0x82: {  	[sflag:s10] =	ssyncset.done $0x0  }
0x83: {  	[sflag:s10] =	ssyncadd.s32 $0xFFFFF000  }
0x84: {  	[hbm4b:s2+s29] =	stream.indirect.scatter [tilespmem:s30], [sflag:$0x5], $0x80, s11, s29, $0xb8;
	[tilespmem:$0xE100] =	vst v63  }
0x85: {  	_ =	swait.ge [sflag:s10], $0x1000  }
0x86: {  	[sflag:s10] =	ssyncset.done $0x0  }
0x87: {  	[sflag:s10] =	ssyncadd.s32 $0xFFFFF000  }
0x88: {  	p0 =	sne.s32 s7, $0x1;
	_ =	swait.ge [sflag:s31], $0x6000  }
.Ltmp0:
0x89: {  	[sflag:s31] =	ssyncset.done $0x0;
	(pc) =	sbr.rel @p0 .LBB2_1-.Ltmp0, $4  }
0x8a: {  	[sflag:s31] =	ssyncadd.s32 $0xFFFFA000  }
0x8b: {  	_ =	swait.ge [sflag:s1], $0x6000  }
0x8c: {  	[sflag:s1] =	ssyncset.done $0x0  }
0x8d: {  	s7 =	sadd.s32 $0xFFFFFFFF, s7;
	[sflag:s1] =	ssyncadd.s32 $0xFFFFA000  }
0x8e: {  	_ =	sfence.sel $0x180000  }
0x8f: {  	[bflag:$0x0] =	sbarrier.arrive $0xFFFF  }
0x90: {  	_ =	strace $0x90000047  }
0x91: {  	s0 =	stileid.u32;
	[bflag:$0x2] =	sbarrier.arrive $0xFFFF  }
0x92: {  	p0 =	sne.s32 s0, $0x0;
	s0 =	rddreg [dreg:$0x3]  }
0x93: {  	s0 =	sadd.s32 @!p0 $0x100000, s0  }
0x94: {  	[sflag:s0] =	ssyncadd.tile.s32 @!p0 $0x1;
	_ =	shalt  }
.Lfunc_end2:
_tile_overlayer_lowered:
.L_overlay_start_2:
0x95: {  	(tag) =	ssettag $0x2  }
0x96: {  	s0 =	rddreg [dreg:$0x0];
	s2 =	stileid.u32  }
0x97: {  	s1 =	rddreg [dreg:$0x1];
	p0 =	sne.s32 s2, $0x0  }
0x98: {  	s3 =	rddreg [dreg:$0x2];
	[bflag:$0x3] =	sbarrier.arrive $0xFFFF;
	s2 =	simm.s32 @!p0 $0x1C05  }
0x99: {  	[timem:s3], [sflag:s2] =	dma.local @!p0 [hbm:s0], s1  }
0x9a: {  	s0 =	simm.s32 @!p0 $0x5  }
0x9b: {  	_ =	swait.ge @!p0 [sflag:s0], s1  }
0x9c: {  	s1 =	ssub.s32 @!p0 $0x0, s1;
	[sflag:s0] =	ssyncset.done @!p0 $0x0  }
0x9d: {  	[sflag:s0] =	ssyncadd.s32 @!p0 s1  }
0x9e: {  	[bflag:$0x3] =	sbarrier.arrive $0xFFFF  }
0x9f: {  	_ =	shalt  }

// kernel: kernel.9.cloned.1.call-start
scs
__scs_entry_jumppad:
0x0: {  	(pc) =	sbr.rel $0x88, $3  }
0x1: {  	(tag) =	ssettag $0x0;
	lr =	simm.s32 $0x1  }
0x2: {  	[smem:$0x3F9A] =	sst lr;
	_ =	strace $0xD0000000  }
0x3: {  	_ = 	snop  }
0x4: {  	_ = 	snop  }
0x5: {  	_ = 	snop  }
0x6: {  	_ = 	snop  }
0x7: {  	_ = 	snop  }
__scs_overlays_trampoline_lowered:
0x8: {  	[smem:$0x3FA9] =	sst s0  }
0x9: {  	[smem:$0x3FAA] =	sst s1  }
0xa: {  	[smem:$0x3FAB] =	sst s2  }
0xb: {  	[smem:$0x3FAC] =	sst s3  }
0xc: {  	[smem:$0x3FAD] =	sst s4  }
0xd: {  	[smem:$0x3FAE] =	sst s5  }
0xe: {  	[smem:$0x3FAF] =	sst s6  }
0xf: {  	[smem:$0x3FB0] =	sst s7  }
0x10: {  	[smem:$0x3FB1] =	sst s8  }
0x11: {  	[smem:$0x3FB2] =	sst s9;
	s0 =	simm.s32 @!p0 $0x0  }
0x12: {  	s1 =	sld [smem:$0x3F98];
	s0 =	simm.s32 @p0 $0x1  }
0x13: {  	[smem:$0x3FB3] =	sst s0;
	s0 =	simm.s32 @!p1 $0x0  }
0x14: {  	s2 =	sld [smem:$0x3F97];
	s0 =	simm.s32 @p1 $0x1  }
0x15: {  	[smem:$0x3FB4] =	sst s0;
	s0 =	simm.s32 @!p2 $0x0  }
0x16: {  	s3 =	sld [smem:$0x3FDB];
	s0 =	simm.s32 @p2 $0x1  }
0x17: {  	s4 =	simm.s32 $0x1BF5;
	[smem:$0x3FB6] =	sst s0  }
0x18: {  	s0 =	sld [smem:$0x3F99];
	_ =	swait.ge [sflag:s4], $0x0  }
0x19: {  	s7 =	sld [smem:$0x3F9A]  }
0x1a: {  	s8 =	sadd.s32 $0xFFFFE003, lr  }
0x1b: {  	s9 =	sadd.s32 $0xFFFFFEF7, lr;
	s5 =	simm.s32 $0xFFFFFFFF;
	p2 =	slt.u32 s8, $0xFFFFF086  }
0x1c: {  	p1 =	slt.u32 s9, $0xF7A;
	s5 =	simm.s32 @!p2 $0x0  }
0x1d: {  	s5 =	simm.s32 @p1 $0x1;
	p0 =	seq.s32 s7, s2  }
0x1e: {  	s7 =	smul.u32 @!p0 $0xF7A, s2;
	p2 =	seq.s32 @!p0 s5, $0x0  }
0x1f: {  	s9 =	smul.u32 $0xF7A, s1;
	s8 =	simm.s32 @!p0 $0x1BF5;
	p2 =	por !p2, p0  }
0x20: {  	[sflag:s8] =	ssyncset.s32 @!p0 $0xFFFFF086;
	s6 =	sadd.s32 @!p0 s3, s7;
	s7 =	simm.s32 @!p0 $0x108  }
0x21: {  	s3 =	sadd.s32 s3, s9;
	s6 =	sadd.s32 @!p0 $0x88, s6;
	s7 =	simm.s32 @p2 $0x1082  }
0x22: {  	[simem:s7], [sflag:s8] =	dma.local @!p0 [hbm:s6], $0xF7A  }
0x23: {  	s9 =	sor.u32 $0xD0000000, s2;
	s6 =	simm.s32 $0x108;
	_ =	swait.ge @!p0 [sflag:s8], $0x0  }
0x24: {  	s3 =	sadd.s32 $0x88, s3;
	s6 =	simm.s32 @!p1 $0x1082;
	[sflag:s4] =	ssyncset.s32 $0xFFFFF086  }
0x25: {  	[simem:s6], [sflag:s4] =	dma.local [hbm:s3], $0xF7A  }
0x26: {  	[smem:$0x3F9A] =	sst s1;
	(tag) =	ssettag s2;
	_ =	strace s9  }
0x27: {  	s1 =	sld [smem:$0x3FAA]  }
0x28: {  	s2 =	sld [smem:$0x3FAB]  }
0x29: {  	s4 =	sld [smem:$0x3FAD]  }
0x2a: {  	p0 =	seq.s32 s5, $0x0;
	s5 =	sld [smem:$0x3FAE]  }
0x2b: {  	s6 =	sld [smem:$0x3FAF]  }
0x2c: {  	s7 =	sld [smem:$0x3FB0]  }
0x2d: {  	s3 =	simm.s32 $0x108;
	s8 =	sld [smem:$0x3FB1]  }
0x2e: {  	s3 =	simm.s32 @!p0 $0x1082;
	s9 =	sld [smem:$0x3FB2]  }
0x2f: {  	lr =	sadd.s32 s0, s3;
	s0 =	sld [smem:$0x3FA9]  }
0x30: {  	s3 =	sld [smem:$0x3FAC]  }
0x31: {  	[smem:$0x3FB5] =	sst s10  }
0x32: {  	s10 =	sld [smem:$0x3FB3];
	_ =	sdelay $0x3  }
0x33: {  	p0 =	seq.s32 s10, $0x1;
	s10 =	sld [smem:$0x3FB5];
	_ =	sdelay $0x3  }
0x34: {  	[smem:$0x3FB5] =	sst s10  }
0x35: {  	s10 =	sld [smem:$0x3FB4];
	_ =	sdelay $0x3  }
0x36: {  	p1 =	seq.s32 s10, $0x1;
	s10 =	sld [smem:$0x3FB5];
	_ =	sdelay $0x3  }
0x37: {  	[smem:$0x3FB5] =	sst s10  }
0x38: {  	s10 =	sld [smem:$0x3FB6]  }
0x39: {  	_ = 	snop;
	(pc) =	sbr.ind lr, $3  }
0x3a: {  	_ = 	snop  }
0x3b: {  	_ = 	snop  }
0x3c: {  	p2 =	seq.s32 s10, $0x1;
	s10 =	sld [smem:$0x3FB5]  }
0x3d: {  	_ =	shalt  }
0x3e: {  	_ =	shalt  }
0x3f: {  	_ =	shalt  }
0x40: {  	_ =	shalt  }
0x41: {  	_ =	shalt  }
0x42: {  	_ =	shalt  }
0x43: {  	_ =	shalt  }
0x44: {  	_ =	shalt  }
0x45: {  	_ =	shalt  }
0x46: {  	_ =	shalt  }
0x47: {  	_ =	shalt  }
0x48: {  	_ =	shalt  }
0x49: {  	_ =	shalt  }
0x4a: {  	_ =	shalt  }
0x4b: {  	_ =	shalt  }
0x4c: {  	_ =	shalt  }
0x4d: {  	_ =	shalt  }
0x4e: {  	_ =	shalt  }
0x4f: {  	_ =	shalt  }
0x50: {  	_ =	shalt  }
0x51: {  	_ =	shalt  }
0x52: {  	_ =	shalt  }
0x53: {  	_ =	shalt  }
0x54: {  	_ =	shalt  }
0x55: {  	_ =	shalt  }
0x56: {  	_ =	shalt  }
0x57: {  	_ =	shalt  }
0x58: {  	_ =	shalt  }
0x59: {  	_ =	shalt  }
0x5a: {  	_ =	shalt  }
0x5b: {  	_ =	shalt  }
0x5c: {  	_ =	shalt  }
0x5d: {  	_ =	shalt  }
0x5e: {  	_ =	shalt  }
0x5f: {  	_ =	shalt  }
0x60: {  	_ =	shalt  }
0x61: {  	_ =	shalt  }
0x62: {  	_ =	shalt  }
0x63: {  	_ =	shalt  }
0x64: {  	_ =	shalt  }
0x65: {  	_ =	shalt  }
0x66: {  	_ =	shalt  }
0x67: {  	_ =	shalt  }
0x68: {  	_ =	shalt  }
0x69: {  	_ =	shalt  }
0x6a: {  	_ =	shalt  }
0x6b: {  	_ =	shalt  }
0x6c: {  	_ =	shalt  }
0x6d: {  	_ =	shalt  }
0x6e: {  	_ =	shalt  }
0x6f: {  	_ =	shalt  }
0x70: {  	_ =	shalt  }
0x71: {  	_ =	shalt  }
0x72: {  	_ =	shalt  }
0x73: {  	_ =	shalt  }
0x74: {  	_ =	shalt  }
0x75: {  	_ =	shalt  }
0x76: {  	_ =	shalt  }
0x77: {  	_ =	shalt  }
0x78: {  	_ =	shalt  }
0x79: {  	_ =	shalt  }
0x7a: {  	_ =	shalt  }
0x7b: {  	_ =	shalt  }
0x7c: {  	_ =	shalt  }
0x7d: {  	_ =	shalt  }
0x7e: {  	_ =	shalt  }
0x7f: {  	_ =	shalt  }
0x80: {  	_ =	shalt  }
0x81: {  	_ =	shalt  }
0x82: {  	_ =	shalt  }
0x83: {  	_ =	shalt  }
0x84: {  	_ =	shalt  }
0x85: {  	_ =	shalt  }
0x86: {  	_ =	shalt  }
0x87: {  	_ =	shalt  }
.Lfunc_end0:
.L_simem_size_0:
called_computation.1_lowered:
.L_overlay_start_0:
0x88: {  	s2 =	sld [smem:$0x3FD9]  }
0x89: {  	s3 =	sld [smem:$0x3FFE];
	_ =	sdelay $0x1  }
0x8a: {  	s1 =	srdreg.scid  }
0x8b: {  	s0 =	sand.u32 $0x1, s1  }
0x8c: {  	s17 =	sshll.u32 s0, $0xA;
	s2 =	sadd.s32 s3, s2  }
0x8d: {  	s2 =	sadd.s32 s2, s17  }
0x8e: {  	[smem:$0x3FC1] =	sst s2  }
0x8f: {  	_ = 	snop  }
0x90: {  	s2 =	sld [smem:$0x3FD0];
	(tm) =	ssettm $0x1  }
0x91: {  	s18 =	sld [smem:$0x3FFB];
	_ =	sdelay $0x3  }
0x92: {  	_ =	strace s18  }
0x93: {  	s3 =	sld [smem:$0x3FFC];
	_ =	sdelay $0x3  }
0x94: {  	_ =	strace s3  }
0x95: {  	s3 =	sld [smem:$0x3FFD];
	_ =	sdelay $0x3  }
0x96: {  	_ =	strace s3  }
0x97: {  	_ =	strace $0x8FFFFFFF  }
0x98: {  	s19 =	sld [smem:$0x3FDB];
	_ =	sdelay $0x1  }
0x99: {  	s4 =	simm.s32 $_scs_section_size  }
0x9a: {  	s5 =	simm.s32 $_size__tile_overlayer_lowered;
	s6 =	simm.s32 $_tile_overlayer_lowered  }
0x9b: {  	s22 =	simm.s32 $0x1BFF;
	s21 =	sshll.u32 s6, $0x1;
	s3 =	sadd.s32 s4, s19  }
0x9c: {  	s7 =	simm.s32 $0x0;
	s20 =	sshll.u32 s5, $0x1;
	s5 =	sadd.s32 s21, s3  }
0x9d: {  	[timem:s7], [sflag:s22] =	dma.local [hbm:s5], s20  }
0x9e: {  	_ =	swait.ge [sflag:s22], s20  }
0x9f: {  	s4 =	ssub.s32 $0x0, s20;
	[sflag:s22] =	ssyncset.done $0x0  }
0xa0: {  	[sflag:s22] =	ssyncadd.s32 s4;
	_ =	sdelay $0x1  }
0xa1: {  	s23 =	simm.s32 $0x1B8B  }
0xa2: {  	_ =	swait.ge [sflag:s23], $0x1  }
0xa3: {  	[sflag:s23] =	ssyncset.done $0x0  }
0xa4: {  	s25 =	simm.s32 $0x1B8E;
	s24 =	sld [smem:$0x3FFE];
	[sflag:s23] =	ssyncadd.s32 $0xFFFFFFFF  }
0xa5: {  	s26 =	simm.s32 $execute0_lowered;
	[smem:$0x3FD2] =	sst s25  }
0xa6: {  	s5 =	sshll.u32 s26, $0x1;
	_ =	strace $0x80000049;
	[dreg:$0x1] =	wrdreg $0xFFFFFFFF  }
0xa7: {  	s28 =	simm.s32 $_size_execute0_lowered;
	s3 =	sadd.s32 s3, s5;
	[dreg:$0x0] =	wrdreg $0x0  }
0xa8: {  	s5 =	sshll.u32 s28, $0x1;
	[dreg:$0x2] =	wrdreg s3  }
0xa9: {  	[dreg:$0x3] =	wrdreg s5  }
0xaa: {  	[dreg:$0x4] =	wrdreg $0xC0  }
0xab: {  	_ =	task [dreg:s7], $0x5FFFF  }
0xac: {  	[dreg:$0x1] =	wrdreg $0xFFFFFFFF  }
0xad: {  	[dreg:$0x0] =	wrdreg $0x60  }
0xae: {  	[dreg:$0x2] =	wrdreg s24  }
0xaf: {  	[dreg:$0x3] =	wrdreg s2  }
0xb0: {  	[dreg:$0x4] =	wrdreg $0x9  }
0xb1: {  	_ =	task.clear_ibuf [dreg:s7], $0x5FFFF;
	_ =	strace $0x90000049  }
0xb2: {  	s29 =	simm.s32 $0x9;
	_ =	strace $0x8000004B  }
0xb3: {  	_ =	swait.ge [sflag:s29], $0x1  }
0xb4: {  	[sflag:s29] =	ssyncadd.s32 $0xFFFFFFFF  }
0xb5: {  	_ =	strace $0x9000004B  }
0xb6: {  	_ =	sfence  }
0xb7: {  	s30 =	sld [smem:$0x0];
	_ =	sdelay $0x2  }
0xb8: {  	s31 =	sshll.u32 s1, $0xD;
	s1 =	sshrl.u32 s1, $0x2  }
0xb9: {  	s3 =	sand.u32 $0x4000, s31;
	s1 =	sadd.s32 s1, s30  }
0xba: {  	s0 =	sor.u32 s3, s0;
	s1 =	sshll.u32 s1, $0x11  }
0xbb: {  	s0 =	sor.u32 s1, s0  }
0xbc: {  	s0 =	sadd.s32 $0x8F2B, s0  }
0xbd: {  	[sflag:s0] =	ssyncadd.remote.s32 $0x1  }
0xbe: {  	_ =	sfence.sel $0xFFFF  }
0xbf: {  	[dreg:$0x0] =	wrdreg $0xFFFFFFFF;
	(pc) =	sbr.abs _section_cstart, $3  }
0xc0: {  	[dreg:$0x1] =	wrdreg $0xFFFFFFFF  }
0xc1: {  	_ =	task.clear_ibuf [dreg:s7], $0x2FFFF;
	_ =	strace $0x9FFFFFFF  }
0xc2: {  	(tm) =	ssettm $0x7FFFFFFF  }
0xc3: {  	_ =	shalt  }
tec
execute0_lowered:
.L_overlay_start_1:
0x0: {  	(tag) =	ssettag $0x1  }
0x1: {  	s0 =	rddreg [dreg:$0x0]  }
0x2: {  	s4 =	rddreg [dreg:$0x1];
	s3 =	srdreg.scid;
	s2 =	simm.s32 $0x0  }
0x3: {  	s1 =	stileid.u32;
	s23 =	simm.s32 $0x880;
	s24 =	simm.s32 $0x1080  }
0x4: {  	s25 =	simm.s32 $0x1880;
	s26 =	simm.s32 $0x2080;
	s10 =	simm.s32 $0x3080  }
0x5: {  	s11 =	simm.s32 $0x3880;
	s12 =	simm.s32 $0x4080;
	s13 =	simm.s32 $0x4880  }
0x6: {  	s14 =	simm.s32 $0x5080;
	s15 =	simm.s32 $0x5880;
	s16 =	simm.s32 $0x6080  }
0x7: {  	s17 =	simm.s32 $0x6880;
	s18 =	simm.s32 $0x7080;
	s28 =	simm.s32 $0xB880  }
0x8: {  	s29 =	simm.s32 $0x1;
	s30 =	simm.s32 $0x2;
	[smem:$0x7FF] =	sst s2  }
0x9: {  	s31 =	simm.s32 $0x3;
	_ =	strace $0x8000004A;
	[dreg:$0x6] =	wrdreg s23  }
0xa: {  	s5 =	sand.u32 $0x1, s3;
	s19 =	sshll.u32 s1, $0x4;
	[dreg:$0x7] =	wrdreg s24  }
0xb: {  	s3 =	sadd.s32 $0xA200, s0;
	s6 =	sshll.u32 s5, $0x3;
	[dreg:$0x8] =	wrdreg s25  }
0xc: {  	s5 =	ssub.s32 $0x2, s5;
	[dreg:$0x9] =	wrdreg s26;
	s23 =	simm.s32 $0x9880  }
0xd: {  	s24 =	simm.s32 $0xA080;
	s25 =	simm.s32 $0xA880;
	s6 =	sor.u32 s6, s19  }
0xe: {  	s26 =	simm.s32 $0xB080;
	s9 =	sshrl.u32 s5, $0x1;
	s7 =	smul.u32 $0x1800, s6  }
0xf: {  	s19 =	simm.s32 $0x7880;
	s8 =	sadd.s32 s6, s0;
	s6 =	smul.u32 $0x300, s6  }
0x10: {  	s9 =	ssub.s32 s5, s9;
	s5 =	sadd.s32 $0xA400, s0;
	s20 =	sadd.s32 $0xA000, s8  }
0x11: {  	s8 =	simm.s32 $0x80;
	s7 =	sshrl.u32 s7, $0x3;
	[dreg:$0x3] =	wrdreg s20  }
0x12: {  	s21 =	sadd.s32 s4, s6;
	s20 =	simm.s32 $0x8080;
	s22 =	sadd.s32 s4, s7  }
0x13: {  	v2 =	vlaneseq.u32;
	s4 =	sadd.s32 $0xA300, s0;
	[dreg:$0x4] =	wrdreg s21;
	s7 =	simm.s32 $0x5  }
0x14: {  	vm0 =	vmmov $0xffff;
	v1 =	vshrl.u32 v2, $0x3;
	s21 =	simm.s32 $0x8880;
	s0 =	simm.s32 $0x4;
	s6 =	sadd.s32 $0xC00, s22  }
0x15: {  	v0 =	vand.u32 $0x7, v2;
	v2 =	vor.u32 $0x8, v2;
	v1 =	vmul.u32 $0x8, v1;
	s22 =	simm.s32 $0x9080;
	[dreg:$0x5] =	wrdreg s6;
	s6 =	smax.u32 s9, $0x1  }
.LBB2_1:
0x16: {  	s1 =	rddreg [dreg:$0x3]  }
0x17: {  	[tilespmem:s2], [sflag:$0x5] =	stream.linear.gather [hbm4b:s1+s2], $0x40, $0x38;
	[tilespmem:$0xC080] =	vst v63  }
0x18: {  	_ =	swait.ge [sflag:s7], $0x40  }
0x19: {  	[sflag:s7] =	ssyncset.done $0x0  }
0x1a: {  	[sflag:s7] =	ssyncadd.s32 $0xFFFFFFC0  }
0x1b: {  	v3 =	vld [tilespmem:$0x0];
	_ =	sdelay $0x4  }
0x1c: {  	v4 =	vshrl.u32 v3, $0x3  }
0x1d: {  	v4 =	vmul.u32 $0x30, v4  }
0x1e: {  	v3 =	vand.u32 $0x7, v3  }
0x1f: {  	v3 =	vor.u32 v3, v4  }
0x20: {  	v4 =	vperm.xlane v3, v0;
	_ =	sdelay $0x1  }
0x21: {  	v4 =	vadd.s32 v1, v4;
	_ =	sdelay $0x3  }
0x22: {  	v3 =	vperm.xlane v3, v2  }
0x23: {  	[tilespmem:s8], [sflag:$0x1] =	stream.indirect_vreg.gather [hbm4b:s3+s2], $0x80, v4, vm0, $0xb8;
	[tilespmem:$0xC080] =	vst v63  }
0x24: {  	s1 =	rddreg [dreg:$0x6];
	v3 =	vadd.s32 v1, v3  }
0x25: {  	[tilespmem:s1], [sflag:$0x1] =	stream.indirect_vreg.gather [hbm4b:s4+s2], $0x80, v4, vm0, $0xb8;
	[tilespmem:$0xC080] =	vst v63  }
0x26: {  	s9 =	rddreg [dreg:$0x7]  }
0x27: {  	[tilespmem:s9], [sflag:$0x1] =	stream.indirect_vreg.gather [hbm4b:s5+s2], $0x80, v4, vm0, $0xb8;
	[tilespmem:$0xC080] =	vst v63  }
0x28: {  	s1 =	rddreg [dreg:$0x8]  }
0x29: {  	[tilespmem:s1], [sflag:$0x1] =	stream.indirect_vreg.gather [hbm4b:s3+s2], $0x80, v3, vm0, $0xb8;
	[tilespmem:$0xC080] =	vst v63  }
0x2a: {  	s9 =	rddreg [dreg:$0x9]  }
0x2b: {  	[tilespmem:s9], [sflag:$0x1] =	stream.indirect_vreg.gather [hbm4b:s4+s2], $0x80, v3, vm0, $0xb8;
	[tilespmem:$0xC080] =	vst v63  }
0x2c: {  	s9 =	simm.s32 $0x2880  }
0x2d: {  	[tilespmem:s9], [sflag:$0x1] =	stream.indirect_vreg.gather [hbm4b:s5+s2], $0x80, v3, vm0, $0xb8;
	[tilespmem:$0xC080] =	vst v63  }
0x2e: {  	v3 =	vld [tilespmem:$0x10];
	_ =	sdelay $0x4  }
0x2f: {  	v61 =	vshrl.u32 v3, $0x3  }
0x30: {  	v4 =	vmul.u32 $0x30, v61  }
0x31: {  	v3 =	vand.u32 $0x7, v3  }
0x32: {  	v3 =	vor.u32 v3, v4  }
0x33: {  	v4 =	vperm.xlane v3, v0;
	_ =	sdelay $0x1  }
0x34: {  	v4 =	vadd.s32 v1, v4;
	_ =	sdelay $0x3  }
0x35: {  	v3 =	vperm.xlane v3, v2  }
0x36: {  	[tilespmem:s10], [sflag:$0x1] =	stream.indirect_vreg.gather [hbm4b:s3+s2], $0x80, v4, vm0, $0xb8;
	[tilespmem:$0xC080] =	vst v63  }
0x37: {  	v3 =	vadd.s32 v1, v3  }
0x38: {  	[tilespmem:s11], [sflag:$0x1] =	stream.indirect_vreg.gather [hbm4b:s4+s2], $0x80, v4, vm0, $0xb8;
	[tilespmem:$0xC080] =	vst v63  }
0x39: {  	_ = 	snop  }
0x3a: {  	[tilespmem:s12], [sflag:$0x1] =	stream.indirect_vreg.gather [hbm4b:s5+s2], $0x80, v4, vm0, $0xb8;
	[tilespmem:$0xC080] =	vst v63  }
0x3b: {  	_ = 	snop  }
0x3c: {  	[tilespmem:s13], [sflag:$0x1] =	stream.indirect_vreg.gather [hbm4b:s3+s2], $0x80, v3, vm0, $0xb8;
	[tilespmem:$0xC080] =	vst v63  }
0x3d: {  	_ = 	snop  }
0x3e: {  	[tilespmem:s14], [sflag:$0x1] =	stream.indirect_vreg.gather [hbm4b:s4+s2], $0x80, v3, vm0, $0xb8;
	[tilespmem:$0xC080] =	vst v63  }
0x3f: {  	_ = 	snop  }
0x40: {  	[tilespmem:s15], [sflag:$0x1] =	stream.indirect_vreg.gather [hbm4b:s5+s2], $0x80, v3, vm0, $0xb8;
	[tilespmem:$0xC080] =	vst v63  }
0x41: {  	v3 =	vld [tilespmem:$0x20];
	_ =	sdelay $0x4  }
0x42: {  	v62 =	vshrl.u32 v3, $0x3  }
0x43: {  	v4 =	vmul.u32 $0x30, v62  }
0x44: {  	v3 =	vand.u32 $0x7, v3  }
0x45: {  	v3 =	vor.u32 v3, v4  }
0x46: {  	v4 =	vperm.xlane v3, v0;
	_ =	sdelay $0x1  }
0x47: {  	v4 =	vadd.s32 v1, v4;
	_ =	sdelay $0x3  }
0x48: {  	v3 =	vperm.xlane v3, v2  }
0x49: {  	[tilespmem:s16], [sflag:$0x2] =	stream.indirect_vreg.gather [hbm4b:s3+s2], $0x80, v4, vm0, $0xb8;
	[tilespmem:$0xC080] =	vst v63  }
0x4a: {  	v3 =	vadd.s32 v1, v3  }
0x4b: {  	[tilespmem:s17], [sflag:$0x2] =	stream.indirect_vreg.gather [hbm4b:s4+s2], $0x80, v4, vm0, $0xb8;
	[tilespmem:$0xC080] =	vst v63  }
0x4c: {  	_ = 	snop  }
0x4d: {  	[tilespmem:s18], [sflag:$0x2] =	stream.indirect_vreg.gather [hbm4b:s5+s2], $0x80, v4, vm0, $0xb8;
	[tilespmem:$0xC080] =	vst v63  }
0x4e: {  	_ = 	snop  }
0x4f: {  	[tilespmem:s19], [sflag:$0x2] =	stream.indirect_vreg.gather [hbm4b:s3+s2], $0x80, v3, vm0, $0xb8;
	[tilespmem:$0xC080] =	vst v63  }
0x50: {  	_ = 	snop  }
0x51: {  	[tilespmem:s20], [sflag:$0x2] =	stream.indirect_vreg.gather [hbm4b:s4+s2], $0x80, v3, vm0, $0xb8;
	[tilespmem:$0xC080] =	vst v63  }
0x52: {  	_ = 	snop  }
0x53: {  	[tilespmem:s21], [sflag:$0x2] =	stream.indirect_vreg.gather [hbm4b:s5+s2], $0x80, v3, vm0, $0xb8;
	[tilespmem:$0xC080] =	vst v63  }
0x54: {  	v3 =	vld [tilespmem:$0x30];
	_ =	sdelay $0x4  }
0x55: {  	v63 =	vshrl.u32 v3, $0x3  }
0x56: {  	v4 =	vmul.u32 $0x30, v63  }
0x57: {  	v3 =	vand.u32 $0x7, v3  }
0x58: {  	v3 =	vor.u32 v3, v4  }
0x59: {  	v4 =	vperm.xlane v3, v0;
	_ =	sdelay $0x1  }
0x5a: {  	v4 =	vadd.s32 v1, v4;
	_ =	sdelay $0x3  }
0x5b: {  	v3 =	vperm.xlane v3, v2  }
0x5c: {  	[tilespmem:s22], [sflag:$0x2] =	stream.indirect_vreg.gather [hbm4b:s3+s2], $0x80, v4, vm0, $0xb8;
	[tilespmem:$0xC080] =	vst v63  }
0x5d: {  	v3 =	vadd.s32 v1, v3  }
0x5e: {  	[tilespmem:s23], [sflag:$0x2] =	stream.indirect_vreg.gather [hbm4b:s4+s2], $0x80, v4, vm0, $0xb8;
	[tilespmem:$0xC080] =	vst v63  }
0x5f: {  	_ = 	snop  }
0x60: {  	[tilespmem:s24], [sflag:$0x2] =	stream.indirect_vreg.gather [hbm4b:s5+s2], $0x80, v4, vm0, $0xb8;
	[tilespmem:$0xC080] =	vst v63  }
0x61: {  	_ = 	snop  }
0x62: {  	[tilespmem:s25], [sflag:$0x2] =	stream.indirect_vreg.gather [hbm4b:s3+s2], $0x80, v3, vm0, $0xb8;
	[tilespmem:$0xC080] =	vst v63  }
0x63: {  	_ = 	snop  }
0x64: {  	[tilespmem:s26], [sflag:$0x2] =	stream.indirect_vreg.gather [hbm4b:s4+s2], $0x80, v3, vm0, $0xb8;
	[tilespmem:$0xC080] =	vst v63  }
0x65: {  	_ = 	snop  }
0x66: {  	[tilespmem:s28], [sflag:$0x2] =	stream.indirect_vreg.gather [hbm4b:s5+s2], $0x80, v3, vm0, $0xb8;
	[tilespmem:$0xC080] =	vst v63  }
0x67: {  	_ =	swait.ge [sflag:s29], $0x6000  }
0x68: {  	[sflag:s29] =	ssyncset.done $0x0  }
0x69: {  	s9 =	rddreg [dreg:$0x4];
	[sflag:s29] =	ssyncadd.s32 $0xFFFFA000  }
0x6a: {  	[hbm4b:s9+s2] =	stream.linear.scatter [tilespmem:s8], [sflag:$0x3], $0x6000, $0x38;
	[tilespmem:$0xC080] =	vst v63  }
0x6b: {  	_ =	swait.ge [sflag:s30], $0x6000  }
0x6c: {  	[sflag:s30] =	ssyncset.done $0x0  }
0x6d: {  	s9 =	rddreg [dreg:$0x5];
	[sflag:s30] =	ssyncadd.s32 $0xFFFFA000  }
0x6e: {  	[hbm4b:s9+s2] =	stream.linear.scatter [tilespmem:s16], [sflag:$0x4], $0x6000, $0x38;
	[tilespmem:$0xC080] =	vst v63  }
0x6f: {  	p0 =	sne.s32 s6, $0x1;
	_ =	swait.ge [sflag:s31], $0x6000  }
.Ltmp0:
0x70: {  	[sflag:s31] =	ssyncset.done $0x0;
	(pc) =	sbr.rel @p0 .LBB2_1-.Ltmp0, $4  }
0x71: {  	[sflag:s31] =	ssyncadd.s32 $0xFFFFA000  }
0x72: {  	_ =	swait.ge [sflag:s0], $0x6000  }
0x73: {  	[sflag:s0] =	ssyncset.done $0x0  }
0x74: {  	s6 =	sadd.s32 $0xFFFFFFFF, s6;
	[sflag:s0] =	ssyncadd.s32 $0xFFFFA000  }
0x75: {  	_ =	sfence.sel $0x180000  }
0x76: {  	[bflag:$0x0] =	sbarrier.arrive $0xFFFF  }
0x77: {  	_ =	strace $0x9000004A  }
0x78: {  	s0 =	stileid.u32;
	[bflag:$0x2] =	sbarrier.arrive $0xFFFF  }
0x79: {  	p0 =	sne.s32 s0, $0x0;
	s0 =	rddreg [dreg:$0x2]  }
0x7a: {  	s0 =	sadd.s32 @!p0 $0x100000, s0  }
0x7b: {  	[sflag:s0] =	ssyncadd.tile.s32 @!p0 $0x1;
	_ =	shalt  }
.Lfunc_end2:
_tile_overlayer_lowered:
.L_overlay_start_2:
0x7c: {  	(tag) =	ssettag $0x2  }
0x7d: {  	s0 =	rddreg [dreg:$0x0];
	s2 =	stileid.u32  }
0x7e: {  	s1 =	rddreg [dreg:$0x1];
	p0 =	sne.s32 s2, $0x0  }
0x7f: {  	s3 =	rddreg [dreg:$0x2];
	[bflag:$0x3] =	sbarrier.arrive $0xFFFF;
	s2 =	simm.s32 @!p0 $0x1C05  }
0x80: {  	[timem:s3], [sflag:s2] =	dma.local @!p0 [hbm:s0], s1  }
0x81: {  	s0 =	simm.s32 @!p0 $0x5  }
0x82: {  	_ =	swait.ge @!p0 [sflag:s0], s1  }
0x83: {  	s1 =	ssub.s32 @!p0 $0x0, s1;
	[sflag:s0] =	ssyncset.done @!p0 $0x0  }
0x84: {  	[sflag:s0] =	ssyncadd.s32 @!p0 s1  }
0x85: {  	[bflag:$0x3] =	sbarrier.arrive $0xFFFF  }
0x86: {  	_ =	shalt  }

</sc_bundles>
